<compile_context>
chip_gen: v7x
topology: tpu7x:2x2x1
jax: 0.10.2.dev20260603
libtpu: 0.0.44.dev20260713+nightly
codegen_flags: <defaults>
</compile_context>

<pallas_src>
import functools

import jax
import jax.numpy as jnp
from jax import lax
from jax.experimental import pallas as pl
from jax.experimental.pallas import tpu as pltpu
from jax.experimental.pallas import tpu_sc as plsc

P = 128
SIL = 1
L = 16
NC, NS = 2, 16
NW = NC * NS
CH = 256
U = 4
U3 = 16

_D_A = 0.7 + 0.3 * 128 / (128 + 1e-8) + 1e-8
_G2C = 0.2 / _D_A
_CFLAT = 0.3 / (128 + 1e-8)
_G1C = 0.2 / (1.0 + 1e-8)


def _sc_decode(x, err):
    B, T, _ = x.shape
    fpw = T
    nchunk = fpw // CH
    ng = CH // L
    mesh = plsc.VectorSubcoreMesh(core_axis_name="c", subcore_axis_name="s")

    @functools.partial(
        pl.kernel,
        mesh=mesh,
        out_type=jax.ShapeDtypeStruct((B, T, P), jnp.float32),
        compiler_params=pltpu.CompilerParams(
            needs_layout_passes=False, use_tc_tiling_on_sc=True),
        scratch_types=[
            pltpu.VMEM((CH, P), jnp.float32),
            pltpu.VMEM((CH, P), jnp.float32),
            pltpu.VMEM((4, T), jnp.float32),
            pltpu.VMEM((P * L,), jnp.float32),
            pltpu.VMEM((P * L,), jnp.int32),
            pltpu.SemaphoreType.DMA,
            pltpu.SemaphoreType.DMA,
            pltpu.SemaphoreType.DMA,
            pltpu.SemaphoreType.DMA,
        ],
    )
    def body(x_hbm, err_hbm, out_hbm, x_v0, x_v1, err_v, es_v, col_v,
             six0, six1, so0, so1):
        x_bufs = (x_v0, x_v1)
        six = (six0, six1)
        so = (so0, so1)
        wid = lax.axis_index("s") * NC + lax.axis_index("c")
        lanes = lax.iota(jnp.int32, L)
        zrow = lanes * 0

        def build_col(j, c):
            col_v[pl.ds(j * L, L)] = lanes * P + ((lanes + j) & (P - 1))
            return c

        lax.fori_loop(0, P, build_col, 0)

        def in_cp_x(ci, b):
            return pltpu.make_async_copy(
                x_hbm.at[wid, pl.ds(ci * CH, CH)], x_bufs[b], six[b])

        def out_cp(ci, b):
            return pltpu.make_async_copy(
                x_bufs[b], out_hbm.at[wid, pl.ds(ci * CH, CH)], so[b])

        def chunk_compute(ci, x_v):
            ci0 = ci * CH

            def group_body(g, gcarry):
                xg = x_v.at[pl.ds(g * L, L)]

                def _ins(t, v):
                    m1, m2, m3 = t
                    a = jnp.maximum(v, m1)
                    b = jnp.minimum(v, m1)
                    c2 = jnp.maximum(b, m2)
                    d2 = jnp.minimum(b, m2)
                    return (a, c2, jnp.maximum(d2, m3))

                zero = jnp.zeros((L,), jnp.float32)

                @plsc.parallel_loop(0, P // U, unroll=2, carry=(zero,) * (4 * U))
                def cc(jj, c):
                    c = list(c)
                    j0 = jj * U
                    cols = [col_v[pl.ds((j0 + k) * L, L)] for k in range(U)]
                    es = [jnp.exp(plsc.load_gather(xg, [zrow, cl]))
                          for cl in cols]
                    for k in range(U):
                        es_v[pl.ds((j0 + k) * L, L)] = es[k]
                    for k in range(U):
                        e = es[k]
                        sk = c[4 * k] + e
                        t = _ins((c[4 * k + 1], c[4 * k + 2], c[4 * k + 3]), e)
                        c[4 * k], c[4 * k + 1], c[4 * k + 2], c[4 * k + 3] = (
                            sk, t[0], t[1], t[2])
                    return tuple(c)

                s = cc[0]
                for k in range(1, U):
                    s = s + cc[4 * k]
                t = (cc[1], cc[2], cc[3])
                for k in range(1, U):
                    t = _ins(t, cc[4 * k + 1])
                    t = _ins(t, cc[4 * k + 2])
                    t = _ins(t, cc[4 * k + 3])
                m1, m2, m3 = t

                e_sil = plsc.load_gather(
                    es_v, [((SIL - lanes) & (P - 1)) * L + lanes])
                e0 = err_v[0, pl.ds(ci0 + g * L, L)]
                e1 = err_v[1, pl.ds(ci0 + g * L, L)]
                e2 = err_v[2, pl.ds(ci0 + g * L, L)]
                e3 = err_v[3, pl.ds(ci0 + g * L, L)]

                dd = s + 0.6 * e_sil
                dc = s + 0.3 * m1
                p1 = dd * dc
                q = 1.0 / (s * p1)
                r = q * p1
                inv_dd = (q * s) * dc
                inv_dc = (q * s) * dd

                g1r = (_G1C * e1) * r
                g2 = _G2C * e2
                u = (0.8 + _G1C * e1 + 0.7 * g2) * r \
                    + 0.08 * e0 * inv_dd + 0.2 * e3 * inv_dc
                t0 = 0.1 * g1r * (m1 + m2 + m3)
                sil_extra = 0.12 * e0 * ((e_sil + s) * inv_dd)
                ca = g2 * _CFLAT
                cb = ca + t0
                ub = u - 0.3 * g1r
                uc = ub + 0.06 * e3 * inv_dc

                @plsc.parallel_loop(0, P, unroll=U3)
                def p3(j):
                    cl = col_v[pl.ds(j * L, L)]
                    e = es_v[pl.ds(j * L, L)]
                    top3 = e >= m3
                    w = jnp.where(top3, ub, u)
                    w = jnp.where(e == m1, uc, w)
                    z = jnp.where(top3, cb, ca)
                    plsc.store_scatter(xg, [zrow, cl], e * w + z)

                csil = lanes * P + SIL
                cur = plsc.load_gather(xg, [zrow, csil])
                plsc.store_scatter(xg, [zrow, csil], cur + sil_extra)
                return gcarry

            lax.fori_loop(0, ng, group_body, 0)

        in_cp_x(0, 0).start()
        in_cp_x(1, 1).start()
        pltpu.sync_copy(err_hbm.at[wid], err_v)

        def chunk_pair(cc_, carry):
            for b in range(2):
                ci = cc_ * 2 + b
                in_cp_x(ci, b).wait()
                chunk_compute(ci, x_bufs[b])
                out_cp(ci, b).start()

                @pl.when(ci + 2 < nchunk)
                def _reload():
                    out_cp(ci, b).wait()
                    in_cp_x(ci + 2, b).start()

            return carry

        lax.fori_loop(0, nchunk // 2, chunk_pair, 0)
        out_cp(nchunk - 2, 0).wait()
        out_cp(nchunk - 1, 1).wait()

    return body(x, err)


def kernel(phoneme_logits, error_probs):
    return _sc_decode(phoneme_logits, jnp.transpose(error_probs, (0, 2, 1)))

# --- scband reference (transcript-rebuilt; emitter-appended) ---
"""Pipeline reference for scband-error-aware-phoneme-decoder-10204842295408 (READ-ONLY COPY).

The authoritative reference and input builder live on the scoring server;
editing this copy changes nothing except your own understanding.
"""

import jax, jax.numpy as jnp
import numpy as np

ERROR_WEIGHT = 0.2
BLANK_INDEX = 0
SIL_INDEX = 1


def setup_inputs(seed: int = 0) -> dict:
    key = jax.random.key(seed)
    k1, k2 = jax.random.split(key)
    phoneme_logits = jax.random.normal(k1, (32, 2048, 128), dtype=jnp.float32)
    error_probs = jax.random.uniform(k2, (32, 2048, 4), dtype=jnp.float32)
    return {"phoneme_logits": phoneme_logits, "error_probs": error_probs}


def reference(phoneme_logits, error_probs):
    phoneme_probs = jax.nn.softmax(phoneme_logits, axis=-1)
    B, T, P = phoneme_probs.shape

    max_probs = jnp.max(phoneme_probs, axis=-1, keepdims=True)
    max_indices = jnp.argmax(phoneme_probs, axis=-1)  # [B, T]

    deletion_probs = error_probs[:, :, 0:1]
    substitution_probs = error_probs[:, :, 1:2]
    add_probs = error_probs[:, :, 2:3]
    correct_probs = error_probs[:, :, 3:4]

    # deletion effect: boost silence
    sil_mask = jnp.zeros((P,), dtype=phoneme_probs.dtype).at[SIL_INDEX].set(1.0)
    sil_mask = jnp.broadcast_to(sil_mask, phoneme_probs.shape)
    deletion_effect = phoneme_probs * (1.0 - 0.6 * (1.0 - sil_mask)) + 0.6 * sil_mask
    deletion_effect = deletion_effect / (jnp.sum(deletion_effect, axis=-1, keepdims=True) + 1e-08)

    # substitution effect: boost top-3 phonemes
    kk = min(3, P)
    top3_values, top3_indices = jax.lax.top_k(phoneme_probs, kk)
    boost_mask = jnp.sum(jax.nn.one_hot(top3_indices, P, dtype=phoneme_probs.dtype), axis=-2)
    sub_effect = phoneme_probs * (1.0 - 0.3 * boost_mask) + 0.3 * boost_mask * jnp.mean(top3_values, axis=-1, keepdims=True)
    sub_effect = sub_effect / (jnp.sum(sub_effect, axis=-1, keepdims=True) + 1e-08)

    # addition effect: mix with flat distribution
    flat_dist = jnp.ones_like(phoneme_probs) / (P + 1e-08)
    add_effect = 0.7 * phoneme_probs + 0.3 * flat_dist
    add_effect = add_effect / (jnp.sum(add_effect, axis=-1, keepdims=True) + 1e-08)

    # correct effect: boost argmax phoneme
    boost_mask_max = jax.nn.one_hot(max_indices, P, dtype=phoneme_probs.dtype)
    correct_effect = phoneme_probs * (1.0 + 0.3 * boost_mask_max)
    correct_effect = correct_effect / (jnp.sum(correct_effect, axis=-1, keepdims=True) + 1e-08)

    adjusted_probs = (deletion_probs * deletion_effect
                      + substitution_probs * sub_effect
                      + add_probs * add_effect
                      + correct_probs * correct_effect)
    final_probs = (1.0 - ERROR_WEIGHT) * phoneme_probs + ERROR_WEIGHT * adjusted_probs
    return final_probs

if __name__ == "__main__":
    import jax
    _d = setup_inputs()
    print(jax.jit(kernel)(*tuple(_d.values())))

</pallas_src>

<mosaic_0001>
#map = affine_map<(d0, d1) -> (0, 0, 0)>
module attributes {stable_mosaic.version = 14 : i64} {
  func.func @body(%arg0: i32, %arg1: i32, %arg2: memref<32x2048x128xf32, #tpu.memory_space<hbm>>, %arg3: memref<32x4x2048xf32, #tpu.memory_space<hbm>>, %arg4: memref<32x2048x128xf32, #tpu.memory_space<hbm>>, %arg5: memref<256x128xf32, #tpu.memory_space<vmem>>, %arg6: memref<256x128xf32, #tpu.memory_space<vmem>>, %arg7: memref<4x2048xf32, #tpu.memory_space<vmem>>, %arg8: memref<2048xf32, #tpu.memory_space<vmem>>, %arg9: memref<2048xi32, #tpu.memory_space<vmem>>, %arg10: memref<!tpu.dma_semaphore, #tpu.memory_space<semaphore_mem>>, %arg11: memref<!tpu.dma_semaphore, #tpu.memory_space<semaphore_mem>>, %arg12: memref<!tpu.dma_semaphore, #tpu.memory_space<semaphore_mem>>, %arg13: memref<!tpu.dma_semaphore, #tpu.memory_space<semaphore_mem>>) attributes {dimension_semantics = [#tpu.dimension_semantics<core_parallel>, #tpu.dimension_semantics<subcore_parallel>], iteration_bounds = array<i64: 2, 16>, scalar_prefetch = 0 : i64, scratch_operands = 9 : i64, tpu.core_type = #tpu.core_type<sc_vector_subcore>, window_params = [{transform_indices = #map}, {transform_indices = #map}, {transform_indices = #map}]} {
    %mul3A = arith.constant 2 : i32
    %mul3A_0 = arith.muli %arg1, %mul3A : i32
    %add3A = arith.addi %mul3A_0, %arg0 : i32
    %iota3A = tpu.iota {dimensions = array<i32: 0>} : vector<16xi32>
    %mul3A_1 = arith.constant 0 : i32
    %mul3A_2 = vector.broadcast %mul3A_1 : i32 to vector<16xi32>
    %mul3A_3 = arith.muli %iota3A, %mul3A_2 : vector<16xi32>
    %scan3A = arith.constant 0 : i32
    %scan3A_4 = arith.constant 0 : i32
    %scan3A_5 = arith.constant 128 : i32
    %scan3A_6 = arith.addi %scan3A_4, %scan3A_5 : i32
    %scan3A_7 = arith.constant 1 : i32
    scf.for %scan3A_45 = %scan3A_4 to %scan3A_6 step %scan3A_7  : i32 {
      %mul3A_46 = arith.constant 128 : i32
      %mul3A_47 = vector.broadcast %mul3A_46 : i32 to vector<16xi32>
      %mul3A_48 = arith.muli %iota3A, %mul3A_47 : vector<16xi32>
      %add3A_49 = vector.broadcast %scan3A_45 : i32 to vector<16xi32>
      %add3A_50 = arith.addi %iota3A, %add3A_49 : vector<16xi32>
      %and3A = arith.constant 127 : i32
      %and3A_51 = vector.broadcast %and3A : i32 to vector<16xi32>
      %and3A_52 = arith.andi %add3A_50, %and3A_51 : vector<16xi32>
      %add3A_53 = arith.addi %mul3A_48, %and3A_52 : vector<16xi32>
      %mul3A_54 = arith.constant 16 : i32
      %mul3A_55 = arith.muli %scan3A_45, %mul3A_54 : i32
      %swap3A = arith.index_cast %mul3A_55 : i32 to index
      %swap3A_56 = tpu.vector_load %arg9[%swap3A] {strides = array<i32>} : memref<2048xi32, #tpu.memory_space<vmem>>, vector<16xi32>,
      tpu.vector_store %arg9[%swap3A], %add3A_53 {strides = array<i32>} : memref<2048xi32, #tpu.memory_space<vmem>>, vector<16xi32>,
    }
    %scan3A_8 = arith.constant 128 : i32
    %dma_start3A = arith.constant 0 : i32
    %dma_start3A_9 = arith.constant 0 : i32
    %dma_start3A_10 = tpu.memref_slice %arg2[%add3A, %dma_start3A, %dma_start3A_9] : memref<32x2048x128xf32, #tpu.memory_space<hbm>> -> memref<1x256x128xf32, #tpu.memory_space<hbm>>
    %dma_start3A_11 = tpu.memref_squeeze %dma_start3A_10 : memref<1x256x128xf32, #tpu.memory_space<hbm>> -> memref<256x128xf32, #tpu.memory_space<hbm>>
    %dma_start3A_12 = arith.constant 0 : i32
    %dma_start3A_13 = arith.constant 0 : i32
    %dma_start3A_14 = tpu.memref_slice %arg2[%add3A, %dma_start3A_12, %dma_start3A_13] : memref<32x2048x128xf32, #tpu.memory_space<hbm>> -> memref<1x256x128xf32, #tpu.memory_space<hbm>>
    %dma_start3A_15 = tpu.memref_squeeze %dma_start3A_14 : memref<1x256x128xf32, #tpu.memory_space<hbm>> -> memref<256x128xf32, #tpu.memory_space<hbm>>
    tpu.enqueue_dma source(%dma_start3A_15 : memref<256x128xf32, #tpu.memory_space<hbm>>) target(%arg5 : memref<256x128xf32, #tpu.memory_space<vmem>>) target_semaphore(%arg10 : memref<!tpu.dma_semaphore, #tpu.memory_space<semaphore_mem>>)
    %dma_start3A_16 = arith.constant 256 : i32
    %dma_start3A_17 = arith.constant 0 : i32
    %dma_start3A_18 = tpu.memref_slice %arg2[%add3A, %dma_start3A_16, %dma_start3A_17] : memref<32x2048x128xf32, #tpu.memory_space<hbm>> -> memref<1x256x128xf32, #tpu.memory_space<hbm>>
    %dma_start3A_19 = tpu.memref_squeeze %dma_start3A_18 : memref<1x256x128xf32, #tpu.memory_space<hbm>> -> memref<256x128xf32, #tpu.memory_space<hbm>>
    %dma_start3A_20 = arith.constant 256 : i32
    %dma_start3A_21 = arith.constant 0 : i32
    %dma_start3A_22 = tpu.memref_slice %arg2[%add3A, %dma_start3A_20, %dma_start3A_21] : memref<32x2048x128xf32, #tpu.memory_space<hbm>> -> memref<1x256x128xf32, #tpu.memory_space<hbm>>
    %dma_start3A_23 = tpu.memref_squeeze %dma_start3A_22 : memref<1x256x128xf32, #tpu.memory_space<hbm>> -> memref<256x128xf32, #tpu.memory_space<hbm>>
    tpu.enqueue_dma source(%dma_start3A_23 : memref<256x128xf32, #tpu.memory_space<hbm>>) target(%arg6 : memref<256x128xf32, #tpu.memory_space<vmem>>) target_semaphore(%arg11 : memref<!tpu.dma_semaphore, #tpu.memory_space<semaphore_mem>>)
    "tpu.region"() ({
      %run_scoped3A = tpu.sem_alloc : memref<!tpu.dma_semaphore, #tpu.memory_space<semaphore_mem>>
      %dma_start3A_45 = arith.constant 0 : i32
      %dma_start3A_46 = arith.constant 0 : i32
      %dma_start3A_47 = tpu.memref_slice %arg3[%add3A, %dma_start3A_45, %dma_start3A_46] : memref<32x4x2048xf32, #tpu.memory_space<hbm>> -> memref<1x4x2048xf32, #tpu.memory_space<hbm>>
      %dma_start3A_48 = tpu.memref_squeeze %dma_start3A_47 : memref<1x4x2048xf32, #tpu.memory_space<hbm>> -> memref<4x2048xf32, #tpu.memory_space<hbm>>
      %dma_start3A_49 = arith.constant 0 : i32
      %dma_start3A_50 = arith.constant 0 : i32
      %dma_start3A_51 = tpu.memref_slice %arg3[%add3A, %dma_start3A_49, %dma_start3A_50] : memref<32x4x2048xf32, #tpu.memory_space<hbm>> -> memref<1x4x2048xf32, #tpu.memory_space<hbm>>
      %dma_start3A_52 = tpu.memref_squeeze %dma_start3A_51 : memref<1x4x2048xf32, #tpu.memory_space<hbm>> -> memref<4x2048xf32, #tpu.memory_space<hbm>>
      tpu.enqueue_dma source(%dma_start3A_52 : memref<4x2048xf32, #tpu.memory_space<hbm>>) target(%arg7 : memref<4x2048xf32, #tpu.memory_space<vmem>>) target_semaphore(%run_scoped3A : memref<!tpu.dma_semaphore, #tpu.memory_space<semaphore_mem>>)
      %dma_wait3A_53 = arith.constant 0 : i32
      %dma_wait3A_54 = arith.constant 0 : i32
      %dma_wait3A_55 = tpu.memref_slice %arg3[%add3A, %dma_wait3A_53, %dma_wait3A_54] : memref<32x4x2048xf32, #tpu.memory_space<hbm>> -> memref<1x4x2048xf32, #tpu.memory_space<hbm>>
      %dma_wait3A_56 = tpu.memref_squeeze %dma_wait3A_55 : memref<1x4x2048xf32, #tpu.memory_space<hbm>> -> memref<4x2048xf32, #tpu.memory_space<hbm>>
      %dma_wait3A_57 = arith.constant 0 : i32
      %dma_wait3A_58 = arith.constant 0 : i32
      %dma_wait3A_59 = tpu.memref_slice %arg3[%add3A, %dma_wait3A_57, %dma_wait3A_58] : memref<32x4x2048xf32, #tpu.memory_space<hbm>> -> memref<1x4x2048xf32, #tpu.memory_space<hbm>>
      %dma_wait3A_60 = tpu.memref_squeeze %dma_wait3A_59 : memref<1x4x2048xf32, #tpu.memory_space<hbm>> -> memref<4x2048xf32, #tpu.memory_space<hbm>>
      tpu.wait_dma2 semaphore(%run_scoped3A : memref<!tpu.dma_semaphore, #tpu.memory_space<semaphore_mem>>) src(%dma_wait3A_60 : memref<4x2048xf32, #tpu.memory_space<hbm>>) dst(%arg7 : memref<4x2048xf32, #tpu.memory_space<vmem>>)
      tpu.yield
    }) : () -> ()
    %scan3A_24 = arith.constant 0 : i32
    %scan3A_25 = arith.constant 0 : i32
    %scan3A_26 = arith.constant 4 : i32
    %scan3A_27 = arith.addi %scan3A_25, %scan3A_26 : i32
    %scan3A_28 = arith.constant 1 : i32
    scf.for %scan3A_45 = %scan3A_25 to %scan3A_27 step %scan3A_28  : i32 {
      %mul3A_46 = arith.constant 2 : i32
      %mul3A_47 = arith.muli %scan3A_45, %mul3A_46 : i32
      %add3A_48 = arith.constant 0 : i32
      %add3A_49 = arith.addi %mul3A_47, %add3A_48 : i32
      %mul3A_50 = arith.constant 256 : i32
      %mul3A_51 = arith.muli %add3A_49, %mul3A_50 : i32
      %dma_wait3A_52 = arith.constant 0 : i32
      %dma_wait3A_53 = tpu.memref_slice %arg2[%add3A, %mul3A_51, %dma_wait3A_52] : memref<32x2048x128xf32, #tpu.memory_space<hbm>> -> memref<1x256x128xf32, #tpu.memory_space<hbm>>
      %dma_wait3A_54 = tpu.memref_squeeze %dma_wait3A_53 : memref<1x256x128xf32, #tpu.memory_space<hbm>> -> memref<256x128xf32, #tpu.memory_space<hbm>>
      %dma_wait3A_55 = arith.constant 0 : i32
      %dma_wait3A_56 = tpu.memref_slice %arg2[%add3A, %mul3A_51, %dma_wait3A_55] : memref<32x2048x128xf32, #tpu.memory_space<hbm>> -> memref<1x256x128xf32, #tpu.memory_space<hbm>>
      %dma_wait3A_57 = tpu.memref_squeeze %dma_wait3A_56 : memref<1x256x128xf32, #tpu.memory_space<hbm>> -> memref<256x128xf32, #tpu.memory_space<hbm>>
      tpu.wait_dma2 semaphore(%arg10 : memref<!tpu.dma_semaphore, #tpu.memory_space<semaphore_mem>>) src(%dma_wait3A_57 : memref<256x128xf32, #tpu.memory_space<hbm>>) dst(%arg5 : memref<256x128xf32, #tpu.memory_space<vmem>>)
      %mul3A_58 = arith.constant 256 : i32
      %mul3A_59 = arith.muli %add3A_49, %mul3A_58 : i32
      %scan3A_60 = arith.constant 0 : i32
      %scan3A_61 = arith.constant 0 : i32
      %scan3A_62 = arith.constant 16 : i32
      %scan3A_63 = arith.addi %scan3A_61, %scan3A_62 : i32
      %scan3A_64 = arith.constant 1 : i32
      scf.for %scan3A_113 = %scan3A_61 to %scan3A_63 step %scan3A_64  : i32 {
        %mul3A_114 = arith.constant 16 : i32
        %mul3A_115 = arith.muli %scan3A_113, %mul3A_114 : i32
        %broadcast_in_dim3A = arith.constant 0.000000e+00 : f32
        %broadcast_in_dim3A_116 = vector.broadcast %broadcast_in_dim3A : f32 to vector<16xf32>
        %parallel_loop3A = arith.constant 0 : i32
        %parallel_loop3A_117 = arith.constant 32 : i32
        %parallel_loop3A_118 = arith.constant 1 : i32
        %parallel_loop3A_119:16 = scf.for %parallel_loop3A_285 = %parallel_loop3A to %parallel_loop3A_117 step %parallel_loop3A_118 iter_args(%parallel_loop3A_286 = %broadcast_in_dim3A_116, %parallel_loop3A_287 = %broadcast_in_dim3A_116, %parallel_loop3A_288 = %broadcast_in_dim3A_116, %parallel_loop3A_289 = %broadcast_in_dim3A_116, %parallel_loop3A_290 = %broadcast_in_dim3A_116, %parallel_loop3A_291 = %broadcast_in_dim3A_116, %parallel_loop3A_292 = %broadcast_in_dim3A_116, %parallel_loop3A_293 = %broadcast_in_dim3A_116, %parallel_loop3A_294 = %broadcast_in_dim3A_116, %parallel_loop3A_295 = %broadcast_in_dim3A_116, %parallel_loop3A_296 = %broadcast_in_dim3A_116, %parallel_loop3A_297 = %broadcast_in_dim3A_116, %parallel_loop3A_298 = %broadcast_in_dim3A_116, %parallel_loop3A_299 = %broadcast_in_dim3A_116, %parallel_loop3A_300 = %broadcast_in_dim3A_116, %parallel_loop3A_301 = %broadcast_in_dim3A_116) -> (vector<16xf32>, vector<16xf32>, vector<16xf32>, vector<16xf32>, vector<16xf32>, vector<16xf32>, vector<16xf32>, vector<16xf32>, vector<16xf32>, vector<16xf32>, vector<16xf32>, vector<16xf32>, vector<16xf32>, vector<16xf32>, vector<16xf32>, vector<16xf32>)  : i32 {
          %parallel_loop3A_302 = arith.constant 4 : i32
          %parallel_loop3A_303 = arith.muli %parallel_loop3A_285, %parallel_loop3A_302 : i32
          %parallel_loop3A_304 = arith.constant 0 : i32
          %parallel_loop3A_305 = arith.addi %parallel_loop3A_303, %parallel_loop3A_304 : i32
          %parallel_loop3A_306 = arith.constant 16 : i32
          %parallel_loop3A_307 = arith.muli %parallel_loop3A_305, %parallel_loop3A_306 : i32
          %parallel_loop3A_308 = arith.index_cast %parallel_loop3A_307 : i32 to index
          %parallel_loop3A_309 = tpu.vector_load %arg9[%parallel_loop3A_308] {strides = array<i32>} : memref<2048xi32, #tpu.memory_space<vmem>>, vector<16xi32>,
          %parallel_loop3A_310 = arith.constant 1 : i32
          %parallel_loop3A_311 = arith.addi %parallel_loop3A_303, %parallel_loop3A_310 : i32
          %parallel_loop3A_312 = arith.constant 16 : i32
          %parallel_loop3A_313 = arith.muli %parallel_loop3A_311, %parallel_loop3A_312 : i32
          %parallel_loop3A_314 = arith.index_cast %parallel_loop3A_313 : i32 to index
          %parallel_loop3A_315 = tpu.vector_load %arg9[%parallel_loop3A_314] {strides = array<i32>} : memref<2048xi32, #tpu.memory_space<vmem>>, vector<16xi32>,
          %parallel_loop3A_316 = arith.constant 2 : i32
          %parallel_loop3A_317 = arith.addi %parallel_loop3A_303, %parallel_loop3A_316 : i32
          %parallel_loop3A_318 = arith.constant 16 : i32
          %parallel_loop3A_319 = arith.muli %parallel_loop3A_317, %parallel_loop3A_318 : i32
          %parallel_loop3A_320 = arith.index_cast %parallel_loop3A_319 : i32 to index
          %parallel_loop3A_321 = tpu.vector_load %arg9[%parallel_loop3A_320] {strides = array<i32>} : memref<2048xi32, #tpu.memory_space<vmem>>, vector<16xi32>,
          %parallel_loop3A_322 = arith.constant 3 : i32
          %parallel_loop3A_323 = arith.addi %parallel_loop3A_303, %parallel_loop3A_322 : i32
          %parallel_loop3A_324 = arith.constant 16 : i32
          %parallel_loop3A_325 = arith.muli %parallel_loop3A_323, %parallel_loop3A_324 : i32
          %parallel_loop3A_326 = arith.index_cast %parallel_loop3A_325 : i32 to index
          %parallel_loop3A_327 = tpu.vector_load %arg9[%parallel_loop3A_326] {strides = array<i32>} : memref<2048xi32, #tpu.memory_space<vmem>>, vector<16xi32>,
          %parallel_loop3A_328 = arith.constant 0 : i32
          %parallel_loop3A_329 = tpu.memref_slice %arg5[%mul3A_115, %parallel_loop3A_328] : memref<256x128xf32, #tpu.memory_space<vmem>> -> memref<16x128xf32, #tpu.memory_space<vmem>>
          %parallel_loop3A_330 = tpu.vector_load_idx %parallel_loop3A_329[%mul3A_3, %parallel_loop3A_309] : memref<16x128xf32, #tpu.memory_space<vmem>>[vector<16xi32>, vector<16xi32>], vector<16xf32>,
          %parallel_loop3A_331 = math.exp %parallel_loop3A_330 : vector<16xf32>
          %parallel_loop3A_332 = arith.constant 0 : i32
          %parallel_loop3A_333 = tpu.memref_slice %arg5[%mul3A_115, %parallel_loop3A_332] : memref<256x128xf32, #tpu.memory_space<vmem>> -> memref<16x128xf32, #tpu.memory_space<vmem>>
          %parallel_loop3A_334 = tpu.vector_load_idx %parallel_loop3A_333[%mul3A_3, %parallel_loop3A_315] : memref<16x128xf32, #tpu.memory_space<vmem>>[vector<16xi32>, vector<16xi32>], vector<16xf32>,
          %parallel_loop3A_335 = math.exp %parallel_loop3A_334 : vector<16xf32>
          %parallel_loop3A_336 = arith.constant 0 : i32
          %parallel_loop3A_337 = tpu.memref_slice %arg5[%mul3A_115, %parallel_loop3A_336] : memref<256x128xf32, #tpu.memory_space<vmem>> -> memref<16x128xf32, #tpu.memory_space<vmem>>
          %parallel_loop3A_338 = tpu.vector_load_idx %parallel_loop3A_337[%mul3A_3, %parallel_loop3A_321] : memref<16x128xf32, #tpu.memory_space<vmem>>[vector<16xi32>, vector<16xi32>], vector<16xf32>,
          %parallel_loop3A_339 = math.exp %parallel_loop3A_338 : vector<16xf32>
          %parallel_loop3A_340 = arith.constant 0 : i32
          %parallel_loop3A_341 = tpu.memref_slice %arg5[%mul3A_115, %parallel_loop3A_340] : memref<256x128xf32, #tpu.memory_space<vmem>> -> memref<16x128xf32, #tpu.memory_space<vmem>>
          %parallel_loop3A_342 = tpu.vector_load_idx %parallel_loop3A_341[%mul3A_3, %parallel_loop3A_327] : memref<16x128xf32, #tpu.memory_space<vmem>>[vector<16xi32>, vector<16xi32>], vector<16xf32>,
          %parallel_loop3A_343 = math.exp %parallel_loop3A_342 : vector<16xf32>
          %parallel_loop3A_344 = arith.constant 0 : i32
          %parallel_loop3A_345 = arith.addi %parallel_loop3A_303, %parallel_loop3A_344 : i32
          %parallel_loop3A_346 = arith.constant 16 : i32
          %parallel_loop3A_347 = arith.muli %parallel_loop3A_345, %parallel_loop3A_346 : i32
          %parallel_loop3A_348 = arith.index_cast %parallel_loop3A_347 : i32 to index
          %parallel_loop3A_349 = tpu.vector_load %arg8[%parallel_loop3A_348] {strides = array<i32>} : memref<2048xf32, #tpu.memory_space<vmem>>, vector<16xf32>,
          tpu.vector_store %arg8[%parallel_loop3A_348], %parallel_loop3A_331 {strides = array<i32>} : memref<2048xf32, #tpu.memory_space<vmem>>, vector<16xf32>,
          %parallel_loop3A_350 = arith.constant 1 : i32
          %parallel_loop3A_351 = arith.addi %parallel_loop3A_303, %parallel_loop3A_350 : i32
          %parallel_loop3A_352 = arith.constant 16 : i32
          %parallel_loop3A_353 = arith.muli %parallel_loop3A_351, %parallel_loop3A_352 : i32
          %parallel_loop3A_354 = arith.index_cast %parallel_loop3A_353 : i32 to index
          %parallel_loop3A_355 = tpu.vector_load %arg8[%parallel_loop3A_354] {strides = array<i32>} : memref<2048xf32, #tpu.memory_space<vmem>>, vector<16xf32>,
          tpu.vector_store %arg8[%parallel_loop3A_354], %parallel_loop3A_335 {strides = array<i32>} : memref<2048xf32, #tpu.memory_space<vmem>>, vector<16xf32>,
          %parallel_loop3A_356 = arith.constant 2 : i32
          %parallel_loop3A_357 = arith.addi %parallel_loop3A_303, %parallel_loop3A_356 : i32
          %parallel_loop3A_358 = arith.constant 16 : i32
          %parallel_loop3A_359 = arith.muli %parallel_loop3A_357, %parallel_loop3A_358 : i32
          %parallel_loop3A_360 = arith.index_cast %parallel_loop3A_359 : i32 to index
          %parallel_loop3A_361 = tpu.vector_load %arg8[%parallel_loop3A_360] {strides = array<i32>} : memref<2048xf32, #tpu.memory_space<vmem>>, vector<16xf32>,
          tpu.vector_store %arg8[%parallel_loop3A_360], %parallel_loop3A_339 {strides = array<i32>} : memref<2048xf32, #tpu.memory_space<vmem>>, vector<16xf32>,
          %parallel_loop3A_362 = arith.constant 3 : i32
          %parallel_loop3A_363 = arith.addi %parallel_loop3A_303, %parallel_loop3A_362 : i32
          %parallel_loop3A_364 = arith.constant 16 : i32
          %parallel_loop3A_365 = arith.muli %parallel_loop3A_363, %parallel_loop3A_364 : i32
          %parallel_loop3A_366 = arith.index_cast %parallel_loop3A_365 : i32 to index
          %parallel_loop3A_367 = tpu.vector_load %arg8[%parallel_loop3A_366] {strides = array<i32>} : memref<2048xf32, #tpu.memory_space<vmem>>, vector<16xf32>,
          tpu.vector_store %arg8[%parallel_loop3A_366], %parallel_loop3A_343 {strides = array<i32>} : memref<2048xf32, #tpu.memory_space<vmem>>, vector<16xf32>,
          %parallel_loop3A_368 = arith.addf %parallel_loop3A_286, %parallel_loop3A_331 : vector<16xf32>
          %parallel_loop3A_369 = arith.maximumf %parallel_loop3A_331, %parallel_loop3A_287 : vector<16xf32>
          %parallel_loop3A_370 = arith.minimumf %parallel_loop3A_331, %parallel_loop3A_287 : vector<16xf32>
          %parallel_loop3A_371 = arith.maximumf %parallel_loop3A_370, %parallel_loop3A_288 : vector<16xf32>
          %parallel_loop3A_372 = arith.minimumf %parallel_loop3A_370, %parallel_loop3A_288 : vector<16xf32>
          %parallel_loop3A_373 = arith.maximumf %parallel_loop3A_372, %parallel_loop3A_289 : vector<16xf32>
          %parallel_loop3A_374 = arith.addf %parallel_loop3A_290, %parallel_loop3A_335 : vector<16xf32>
          %parallel_loop3A_375 = arith.maximumf %parallel_loop3A_335, %parallel_loop3A_291 : vector<16xf32>
          %parallel_loop3A_376 = arith.minimumf %parallel_loop3A_335, %parallel_loop3A_291 : vector<16xf32>
          %parallel_loop3A_377 = arith.maximumf %parallel_loop3A_376, %parallel_loop3A_292 : vector<16xf32>
          %parallel_loop3A_378 = arith.minimumf %parallel_loop3A_376, %parallel_loop3A_292 : vector<16xf32>
          %parallel_loop3A_379 = arith.maximumf %parallel_loop3A_378, %parallel_loop3A_293 : vector<16xf32>
          %parallel_loop3A_380 = arith.addf %parallel_loop3A_294, %parallel_loop3A_339 : vector<16xf32>
          %parallel_loop3A_381 = arith.maximumf %parallel_loop3A_339, %parallel_loop3A_295 : vector<16xf32>
          %parallel_loop3A_382 = arith.minimumf %parallel_loop3A_339, %parallel_loop3A_295 : vector<16xf32>
          %parallel_loop3A_383 = arith.maximumf %parallel_loop3A_382, %parallel_loop3A_296 : vector<16xf32>
          %parallel_loop3A_384 = arith.minimumf %parallel_loop3A_382, %parallel_loop3A_296 : vector<16xf32>
          %parallel_loop3A_385 = arith.maximumf %parallel_loop3A_384, %parallel_loop3A_297 : vector<16xf32>
          %parallel_loop3A_386 = arith.addf %parallel_loop3A_298, %parallel_loop3A_343 : vector<16xf32>
          %parallel_loop3A_387 = arith.maximumf %parallel_loop3A_343, %parallel_loop3A_299 : vector<16xf32>
          %parallel_loop3A_388 = arith.minimumf %parallel_loop3A_343, %parallel_loop3A_299 : vector<16xf32>
          %parallel_loop3A_389 = arith.maximumf %parallel_loop3A_388, %parallel_loop3A_300 : vector<16xf32>
          %parallel_loop3A_390 = arith.minimumf %parallel_loop3A_388, %parallel_loop3A_300 : vector<16xf32>
          %parallel_loop3A_391 = arith.maximumf %parallel_loop3A_390, %parallel_loop3A_301 : vector<16xf32>
          scf.yield %parallel_loop3A_368, %parallel_loop3A_369, %parallel_loop3A_371, %parallel_loop3A_373, %parallel_loop3A_374, %parallel_loop3A_375, %parallel_loop3A_377, %parallel_loop3A_379, %parallel_loop3A_380, %parallel_loop3A_381, %parallel_loop3A_383, %parallel_loop3A_385, %parallel_loop3A_386, %parallel_loop3A_387, %parallel_loop3A_389, %parallel_loop3A_391 : vector<16xf32>, vector<16xf32>, vector<16xf32>, vector<16xf32>, vector<16xf32>, vector<16xf32>, vector<16xf32>, vector<16xf32>, vector<16xf32>, vector<16xf32>, vector<16xf32>, vector<16xf32>, vector<16xf32>, vector<16xf32>, vector<16xf32>, vector<16xf32>
        } {sc.loop_unroll_factor = 2 : i64, sc.parallel_access}
        %add3A_120 = arith.addf %parallel_loop3A_119#0, %parallel_loop3A_119#4 : vector<16xf32>
        %add3A_121 = arith.addf %add3A_120, %parallel_loop3A_119#8 : vector<16xf32>
        %add3A_122 = arith.addf %add3A_121, %parallel_loop3A_119#12 : vector<16xf32>
        %max3A = arith.maximumf %parallel_loop3A_119#5, %parallel_loop3A_119#1 : vector<16xf32>
        %min3A = arith.minimumf %parallel_loop3A_119#5, %parallel_loop3A_119#1 : vector<16xf32>
        %max3A_123 = arith.maximumf %min3A, %parallel_loop3A_119#2 : vector<16xf32>
        %min3A_124 = arith.minimumf %min3A, %parallel_loop3A_119#2 : vector<16xf32>
        %max3A_125 = arith.maximumf %min3A_124, %parallel_loop3A_119#3 : vector<16xf32>
        %max3A_126 = arith.maximumf %parallel_loop3A_119#6, %max3A : vector<16xf32>
        %min3A_127 = arith.minimumf %parallel_loop3A_119#6, %max3A : vector<16xf32>
        %max3A_128 = arith.maximumf %min3A_127, %max3A_123 : vector<16xf32>
        %min3A_129 = arith.minimumf %min3A_127, %max3A_123 : vector<16xf32>
        %max3A_130 = arith.maximumf %min3A_129, %max3A_125 : vector<16xf32>
        %max3A_131 = arith.maximumf %parallel_loop3A_119#7, %max3A_126 : vector<16xf32>
        %min3A_132 = arith.minimumf %parallel_loop3A_119#7, %max3A_126 : vector<16xf32>
        %max3A_133 = arith.maximumf %min3A_132, %max3A_128 : vector<16xf32>
        %min3A_134 = arith.minimumf %min3A_132, %max3A_128 : vector<16xf32>
        %max3A_135 = arith.maximumf %min3A_134, %max3A_130 : vector<16xf32>
        %max3A_136 = arith.maximumf %parallel_loop3A_119#9, %max3A_131 : vector<16xf32>
        %min3A_137 = arith.minimumf %parallel_loop3A_119#9, %max3A_131 : vector<16xf32>
        %max3A_138 = arith.maximumf %min3A_137, %max3A_133 : vector<16xf32>
        %min3A_139 = arith.minimumf %min3A_137, %max3A_133 : vector<16xf32>
        %max3A_140 = arith.maximumf %min3A_139, %max3A_135 : vector<16xf32>
        %max3A_141 = arith.maximumf %parallel_loop3A_119#10, %max3A_136 : vector<16xf32>
        %min3A_142 = arith.minimumf %parallel_loop3A_119#10, %max3A_136 : vector<16xf32>
        %max3A_143 = arith.maximumf %min3A_142, %max3A_138 : vector<16xf32>
        %min3A_144 = arith.minimumf %min3A_142, %max3A_138 : vector<16xf32>
        %max3A_145 = arith.maximumf %min3A_144, %max3A_140 : vector<16xf32>
        %max3A_146 = arith.maximumf %parallel_loop3A_119#11, %max3A_141 : vector<16xf32>
        %min3A_147 = arith.minimumf %parallel_loop3A_119#11, %max3A_141 : vector<16xf32>
        %max3A_148 = arith.maximumf %min3A_147, %max3A_143 : vector<16xf32>
        %min3A_149 = arith.minimumf %min3A_147, %max3A_143 : vector<16xf32>
        %max3A_150 = arith.maximumf %min3A_149, %max3A_145 : vector<16xf32>
        %max3A_151 = arith.maximumf %parallel_loop3A_119#13, %max3A_146 : vector<16xf32>
        %min3A_152 = arith.minimumf %parallel_loop3A_119#13, %max3A_146 : vector<16xf32>
        %max3A_153 = arith.maximumf %min3A_152, %max3A_148 : vector<16xf32>
        %min3A_154 = arith.minimumf %min3A_152, %max3A_148 : vector<16xf32>
        %max3A_155 = arith.maximumf %min3A_154, %max3A_150 : vector<16xf32>
        %max3A_156 = arith.maximumf %parallel_loop3A_119#14, %max3A_151 : vector<16xf32>
        %min3A_157 = arith.minimumf %parallel_loop3A_119#14, %max3A_151 : vector<16xf32>
        %max3A_158 = arith.maximumf %min3A_157, %max3A_153 : vector<16xf32>
        %min3A_159 = arith.minimumf %min3A_157, %max3A_153 : vector<16xf32>
        %max3A_160 = arith.maximumf %min3A_159, %max3A_155 : vector<16xf32>
        %max3A_161 = arith.maximumf %parallel_loop3A_119#15, %max3A_156 : vector<16xf32>
        %min3A_162 = arith.minimumf %parallel_loop3A_119#15, %max3A_156 : vector<16xf32>
        %max3A_163 = arith.maximumf %min3A_162, %max3A_158 : vector<16xf32>
        %min3A_164 = arith.minimumf %min3A_162, %max3A_158 : vector<16xf32>
        %max3A_165 = arith.maximumf %min3A_164, %max3A_160 : vector<16xf32>
        %sub3A = arith.constant 1 : i32
        %sub3A_166 = vector.broadcast %sub3A : i32 to vector<16xi32>
        %sub3A_167 = arith.subi %sub3A_166, %iota3A : vector<16xi32>
        %and3A = arith.constant 127 : i32
        %and3A_168 = vector.broadcast %and3A : i32 to vector<16xi32>
        %and3A_169 = arith.andi %sub3A_167, %and3A_168 : vector<16xi32>
        %mul3A_170 = arith.constant 16 : i32
        %mul3A_171 = vector.broadcast %mul3A_170 : i32 to vector<16xi32>
        %mul3A_172 = arith.muli %and3A_169, %mul3A_171 : vector<16xi32>
        %add3A_173 = arith.addi %mul3A_172, %iota3A : vector<16xi32>
        %gather3A = tpu.vector_load_idx %arg8[%add3A_173] : memref<2048xf32, #tpu.memory_space<vmem>>[vector<16xi32>], vector<16xf32>,
        %mul3A_174 = arith.constant 16 : i32
        %mul3A_175 = arith.muli %scan3A_113, %mul3A_174 : i32
        %add3A_176 = arith.addi %mul3A_59, %mul3A_175 : i32
        %get3A = arith.constant 0 : i32
        %get3A_177 = arith.index_cast %get3A : i32 to index
        %get3A_178 = arith.index_cast %add3A_176 : i32 to index
        %get3A_179 = tpu.vector_load %arg7[%get3A_177, %get3A_178] {strides = array<i32>} : memref<4x2048xf32, #tpu.memory_space<vmem>>, vector<16xf32>,
        %mul3A_180 = arith.constant 16 : i32
        %mul3A_181 = arith.muli %scan3A_113, %mul3A_180 : i32
        %add3A_182 = arith.addi %mul3A_59, %mul3A_181 : i32
        %get3A_183 = arith.constant 1 : i32
        %get3A_184 = arith.index_cast %get3A_183 : i32 to index
        %get3A_185 = arith.index_cast %add3A_182 : i32 to index
        %get3A_186 = tpu.vector_load %arg7[%get3A_184, %get3A_185] {strides = array<i32>} : memref<4x2048xf32, #tpu.memory_space<vmem>>, vector<16xf32>,
        %mul3A_187 = arith.constant 16 : i32
        %mul3A_188 = arith.muli %scan3A_113, %mul3A_187 : i32
        %add3A_189 = arith.addi %mul3A_59, %mul3A_188 : i32
        %get3A_190 = arith.constant 2 : i32
        %get3A_191 = arith.index_cast %get3A_190 : i32 to index
        %get3A_192 = arith.index_cast %add3A_189 : i32 to index
        %get3A_193 = tpu.vector_load %arg7[%get3A_191, %get3A_192] {strides = array<i32>} : memref<4x2048xf32, #tpu.memory_space<vmem>>, vector<16xf32>,
        %mul3A_194 = arith.constant 16 : i32
        %mul3A_195 = arith.muli %scan3A_113, %mul3A_194 : i32
        %add3A_196 = arith.addi %mul3A_59, %mul3A_195 : i32
        %get3A_197 = arith.constant 3 : i32
        %get3A_198 = arith.index_cast %get3A_197 : i32 to index
        %get3A_199 = arith.index_cast %add3A_196 : i32 to index
        %get3A_200 = tpu.vector_load %arg7[%get3A_198, %get3A_199] {strides = array<i32>} : memref<4x2048xf32, #tpu.memory_space<vmem>>, vector<16xf32>,
        %mul3A_201 = arith.constant 6.000000e-01 : f32
        %mul3A_202 = vector.broadcast %mul3A_201 : f32 to vector<16xf32>
        %mul3A_203 = arith.mulf %mul3A_202, %gather3A : vector<16xf32>
        %add3A_204 = arith.addf %add3A_122, %mul3A_203 : vector<16xf32>
        %mul3A_205 = arith.constant 3.000000e-01 : f32
        %mul3A_206 = vector.broadcast %mul3A_205 : f32 to vector<16xf32>
        %mul3A_207 = arith.mulf %mul3A_206, %max3A_161 : vector<16xf32>
        %add3A_208 = arith.addf %add3A_122, %mul3A_207 : vector<16xf32>
        %mul3A_209 = arith.mulf %add3A_204, %add3A_208 : vector<16xf32>
        %mul3A_210 = arith.mulf %add3A_122, %mul3A_209 : vector<16xf32>
        %div3A = arith.constant 1.000000e+00 : f32
        %div3A_211 = vector.broadcast %div3A : f32 to vector<16xf32>
        %div3A_212 = arith.divf %div3A_211, %mul3A_210 : vector<16xf32>
        %mul3A_213 = arith.mulf %div3A_212, %mul3A_209 : vector<16xf32>
        %mul3A_214 = arith.mulf %div3A_212, %add3A_122 : vector<16xf32>
        %mul3A_215 = arith.mulf %mul3A_214, %add3A_208 : vector<16xf32>
        %mul3A_216 = arith.mulf %div3A_212, %add3A_122 : vector<16xf32>
        %mul3A_217 = arith.mulf %mul3A_216, %add3A_204 : vector<16xf32>
        %mul3A_218 = arith.constant 2.000000e-01 : f32
        %mul3A_219 = vector.broadcast %mul3A_218 : f32 to vector<16xf32>
        %mul3A_220 = arith.mulf %mul3A_219, %get3A_186 : vector<16xf32>
        %mul3A_221 = arith.mulf %mul3A_220, %mul3A_213 : vector<16xf32>
        %mul3A_222 = arith.constant 2.000000e-01 : f32
        %mul3A_223 = vector.broadcast %mul3A_222 : f32 to vector<16xf32>
        %mul3A_224 = arith.mulf %mul3A_223, %get3A_193 : vector<16xf32>
        %mul3A_225 = arith.constant 2.000000e-01 : f32
        %mul3A_226 = vector.broadcast %mul3A_225 : f32 to vector<16xf32>
        %mul3A_227 = arith.mulf %mul3A_226, %get3A_186 : vector<16xf32>
        %add3A_228 = arith.constant 8.000000e-01 : f32
        %add3A_229 = vector.broadcast %add3A_228 : f32 to vector<16xf32>
        %add3A_230 = arith.addf %add3A_229, %mul3A_227 : vector<16xf32>
        %mul3A_231 = arith.constant 0.699999988 : f32
        %mul3A_232 = vector.broadcast %mul3A_231 : f32 to vector<16xf32>
        %mul3A_233 = arith.mulf %mul3A_232, %mul3A_224 : vector<16xf32>
        %add3A_234 = arith.addf %add3A_230, %mul3A_233 : vector<16xf32>
        %mul3A_235 = arith.mulf %add3A_234, %mul3A_213 : vector<16xf32>
        %mul3A_236 = arith.constant 8.000000e-02 : f32
        %mul3A_237 = vector.broadcast %mul3A_236 : f32 to vector<16xf32>
        %mul3A_238 = arith.mulf %mul3A_237, %get3A_179 : vector<16xf32>
        %mul3A_239 = arith.mulf %mul3A_238, %mul3A_215 : vector<16xf32>
        %add3A_240 = arith.addf %mul3A_235, %mul3A_239 : vector<16xf32>
        %mul3A_241 = arith.constant 2.000000e-01 : f32
        %mul3A_242 = vector.broadcast %mul3A_241 : f32 to vector<16xf32>
        %mul3A_243 = arith.mulf %mul3A_242, %get3A_200 : vector<16xf32>
        %mul3A_244 = arith.mulf %mul3A_243, %mul3A_217 : vector<16xf32>
        %add3A_245 = arith.addf %add3A_240, %mul3A_244 : vector<16xf32>
        %mul3A_246 = arith.constant 1.000000e-01 : f32
        %mul3A_247 = vector.broadcast %mul3A_246 : f32 to vector<16xf32>
        %mul3A_248 = arith.mulf %mul3A_247, %mul3A_221 : vector<16xf32>
        %add3A_249 = arith.addf %max3A_161, %max3A_163 : vector<16xf32>
        %add3A_250 = arith.addf %add3A_249, %max3A_165 : vector<16xf32>
        %mul3A_251 = arith.mulf %mul3A_248, %add3A_250 : vector<16xf32>
        %mul3A_252 = arith.constant 1.200000e-01 : f32
        %mul3A_253 = vector.broadcast %mul3A_252 : f32 to vector<16xf32>
        %mul3A_254 = arith.mulf %mul3A_253, %get3A_179 : vector<16xf32>
        %add3A_255 = arith.addf %gather3A, %add3A_122 : vector<16xf32>
        %mul3A_256 = arith.mulf %add3A_255, %mul3A_215 : vector<16xf32>
        %mul3A_257 = arith.mulf %mul3A_254, %mul3A_256 : vector<16xf32>
        %mul3A_258 = arith.constant 2.343750e-03 : f32
        %mul3A_259 = vector.broadcast %mul3A_258 : f32 to vector<16xf32>
        %mul3A_260 = arith.mulf %mul3A_224, %mul3A_259 : vector<16xf32>
        %add3A_261 = arith.addf %mul3A_260, %mul3A_251 : vector<16xf32>
        %mul3A_262 = arith.constant 3.000000e-01 : f32
        %mul3A_263 = vector.broadcast %mul3A_262 : f32 to vector<16xf32>
        %mul3A_264 = arith.mulf %mul3A_263, %mul3A_221 : vector<16xf32>
        %sub3A_265 = arith.subf %add3A_245, %mul3A_264 : vector<16xf32>
        %mul3A_266 = arith.constant 6.000000e-02 : f32
        %mul3A_267 = vector.broadcast %mul3A_266 : f32 to vector<16xf32>
        %mul3A_268 = arith.mulf %mul3A_267, %get3A_200 : vector<16xf32>
        %mul3A_269 = arith.mulf %mul3A_268, %mul3A_217 : vector<16xf32>
        %add3A_270 = arith.addf %sub3A_265, %mul3A_269 : vector<16xf32>
        %parallel_loop3A_271 = arith.constant 0 : i32
        %parallel_loop3A_272 = arith.constant 128 : i32
        %parallel_loop3A_273 = arith.constant 1 : i32
        scf.for %parallel_loop3A_285 = %parallel_loop3A_271 to %parallel_loop3A_272 step %parallel_loop3A_273  : i32 {
          %parallel_loop3A_286 = arith.constant 16 : i32
          %parallel_loop3A_287 = arith.muli %parallel_loop3A_285, %parallel_loop3A_286 : i32
          %parallel_loop3A_288 = arith.index_cast %parallel_loop3A_287 : i32 to index
          %parallel_loop3A_289 = tpu.vector_load %arg9[%parallel_loop3A_288] {strides = array<i32>} : memref<2048xi32, #tpu.memory_space<vmem>>, vector<16xi32>,
          %parallel_loop3A_290 = arith.constant 16 : i32
          %parallel_loop3A_291 = arith.muli %parallel_loop3A_285, %parallel_loop3A_290 : i32
          %parallel_loop3A_292 = arith.index_cast %parallel_loop3A_291 : i32 to index
          %parallel_loop3A_293 = tpu.vector_load %arg8[%parallel_loop3A_292] {strides = array<i32>} : memref<2048xf32, #tpu.memory_space<vmem>>, vector<16xf32>,
          %parallel_loop3A_294 = arith.cmpf oge, %parallel_loop3A_293, %max3A_165 : vector<16xf32>
          %parallel_loop3A_295 = arith.select %parallel_loop3A_294, %sub3A_265, %add3A_245 : vector<16xi1>, vector<16xf32>
          %parallel_loop3A_296 = arith.cmpf oeq, %parallel_loop3A_293, %max3A_161 : vector<16xf32>
          %parallel_loop3A_297 = arith.select %parallel_loop3A_296, %add3A_270, %parallel_loop3A_295 : vector<16xi1>, vector<16xf32>
          %parallel_loop3A_298 = arith.select %parallel_loop3A_294, %add3A_261, %mul3A_260 : vector<16xi1>, vector<16xf32>
          %parallel_loop3A_299 = arith.mulf %parallel_loop3A_293, %parallel_loop3A_297 : vector<16xf32>
          %parallel_loop3A_300 = arith.addf %parallel_loop3A_299, %parallel_loop3A_298 : vector<16xf32>
          %parallel_loop3A_301 = arith.constant 0 : i32
          %parallel_loop3A_302 = tpu.memref_slice %arg5[%mul3A_115, %parallel_loop3A_301] : memref<256x128xf32, #tpu.memory_space<vmem>> -> memref<16x128xf32, #tpu.memory_space<vmem>>
          tpu.vector_store_idx %parallel_loop3A_302[%mul3A_3, %parallel_loop3A_289], %parallel_loop3A_300 : memref<16x128xf32, #tpu.memory_space<vmem>>[vector<16xi32>, vector<16xi32>], vector<16xf32>,
        } {sc.loop_unroll_factor = 16 : i64, sc.parallel_access}
        %mul3A_274 = arith.constant 128 : i32
        %mul3A_275 = vector.broadcast %mul3A_274 : i32 to vector<16xi32>
        %mul3A_276 = arith.muli %iota3A, %mul3A_275 : vector<16xi32>
        %add3A_277 = arith.constant 1 : i32
        %add3A_278 = vector.broadcast %add3A_277 : i32 to vector<16xi32>
        %add3A_279 = arith.addi %mul3A_276, %add3A_278 : vector<16xi32>
        %gather3A_280 = arith.constant 0 : i32
        %gather3A_281 = tpu.memref_slice %arg5[%mul3A_115, %gather3A_280] : memref<256x128xf32, #tpu.memory_space<vmem>> -> memref<16x128xf32, #tpu.memory_space<vmem>>
        %gather3A_282 = tpu.vector_load_idx %gather3A_281[%mul3A_3, %add3A_279] : memref<16x128xf32, #tpu.memory_space<vmem>>[vector<16xi32>, vector<16xi32>], vector<16xf32>,
        %add3A_283 = arith.addf %gather3A_282, %mul3A_257 : vector<16xf32>
        %scatter3A = arith.constant 0 : i32
        %scatter3A_284 = tpu.memref_slice %arg5[%mul3A_115, %scatter3A] : memref<256x128xf32, #tpu.memory_space<vmem>> -> memref<16x128xf32, #tpu.memory_space<vmem>>
        tpu.vector_store_idx %scatter3A_284[%mul3A_3, %add3A_279], %add3A_283 : memref<16x128xf32, #tpu.memory_space<vmem>>[vector<16xi32>, vector<16xi32>], vector<16xf32>,
      }
      %scan3A_65 = arith.constant 16 : i32
      %mul3A_66 = arith.constant 256 : i32
      %mul3A_67 = arith.muli %add3A_49, %mul3A_66 : i32
      %dma_start3A_68 = arith.constant 0 : i32
      %dma_start3A_69 = tpu.memref_slice %arg4[%add3A, %mul3A_67, %dma_start3A_68] : memref<32x2048x128xf32, #tpu.memory_space<hbm>> -> memref<1x256x128xf32, #tpu.memory_space<hbm>>
      %dma_start3A_70 = tpu.memref_squeeze %dma_start3A_69 : memref<1x256x128xf32, #tpu.memory_space<hbm>> -> memref<256x128xf32, #tpu.memory_space<hbm>>
      %dma_start3A_71 = arith.constant 0 : i32
      %dma_start3A_72 = tpu.memref_slice %arg4[%add3A, %mul3A_67, %dma_start3A_71] : memref<32x2048x128xf32, #tpu.memory_space<hbm>> -> memref<1x256x128xf32, #tpu.memory_space<hbm>>
      %dma_start3A_73 = tpu.memref_squeeze %dma_start3A_72 : memref<1x256x128xf32, #tpu.memory_space<hbm>> -> memref<256x128xf32, #tpu.memory_space<hbm>>
      tpu.enqueue_dma source(%arg5 : memref<256x128xf32, #tpu.memory_space<vmem>>) target(%dma_start3A_73 : memref<256x128xf32, #tpu.memory_space<hbm>>) target_semaphore(%arg12 : memref<!tpu.dma_semaphore, #tpu.memory_space<semaphore_mem>>)
      %add3A_74 = arith.constant 2 : i32
      %add3A_75 = arith.addi %add3A_49, %add3A_74 : i32
      %lt3A = arith.constant 8 : i32
      %lt3A_76 = arith.cmpi slt, %add3A_75, %lt3A : i32
      %convert_element_type3A = arith.extui %lt3A_76 : i1 to i32
      %cond3A = arith.constant 0 : i32
      %cond3A_77 = arith.cmpi ne, %convert_element_type3A, %cond3A : i32
      scf.if %cond3A_77 {
        %mul3A_113 = arith.constant 256 : i32
        %mul3A_114 = arith.muli %add3A_49, %mul3A_113 : i32
        %dma_wait3A_115 = arith.constant 0 : i32
        %dma_wait3A_116 = tpu.memref_slice %arg4[%add3A, %mul3A_114, %dma_wait3A_115] : memref<32x2048x128xf32, #tpu.memory_space<hbm>> -> memref<1x256x128xf32, #tpu.memory_space<hbm>>
        %dma_wait3A_117 = tpu.memref_squeeze %dma_wait3A_116 : memref<1x256x128xf32, #tpu.memory_space<hbm>> -> memref<256x128xf32, #tpu.memory_space<hbm>>
        %dma_wait3A_118 = arith.constant 0 : i32
        %dma_wait3A_119 = tpu.memref_slice %arg4[%add3A, %mul3A_114, %dma_wait3A_118] : memref<32x2048x128xf32, #tpu.memory_space<hbm>> -> memref<1x256x128xf32, #tpu.memory_space<hbm>>
        %dma_wait3A_120 = tpu.memref_squeeze %dma_wait3A_119 : memref<1x256x128xf32, #tpu.memory_space<hbm>> -> memref<256x128xf32, #tpu.memory_space<hbm>>
        tpu.wait_dma2 semaphore(%arg12 : memref<!tpu.dma_semaphore, #tpu.memory_space<semaphore_mem>>) src(%arg5 : memref<256x128xf32, #tpu.memory_space<vmem>>) dst(%dma_wait3A_120 : memref<256x128xf32, #tpu.memory_space<hbm>>)
        %add3A_121 = arith.constant 2 : i32
        %add3A_122 = arith.addi %add3A_49, %add3A_121 : i32
        %mul3A_123 = arith.constant 256 : i32
        %mul3A_124 = arith.muli %add3A_122, %mul3A_123 : i32
        %dma_start3A_125 = arith.constant 0 : i32
        %dma_start3A_126 = tpu.memref_slice %arg2[%add3A, %mul3A_124, %dma_start3A_125] : memref<32x2048x128xf32, #tpu.memory_space<hbm>> -> memref<1x256x128xf32, #tpu.memory_space<hbm>>
        %dma_start3A_127 = tpu.memref_squeeze %dma_start3A_126 : memref<1x256x128xf32, #tpu.memory_space<hbm>> -> memref<256x128xf32, #tpu.memory_space<hbm>>
        %dma_start3A_128 = arith.constant 0 : i32
        %dma_start3A_129 = tpu.memref_slice %arg2[%add3A, %mul3A_124, %dma_start3A_128] : memref<32x2048x128xf32, #tpu.memory_space<hbm>> -> memref<1x256x128xf32, #tpu.memory_space<hbm>>
        %dma_start3A_130 = tpu.memref_squeeze %dma_start3A_129 : memref<1x256x128xf32, #tpu.memory_space<hbm>> -> memref<256x128xf32, #tpu.memory_space<hbm>>
        tpu.enqueue_dma source(%dma_start3A_130 : memref<256x128xf32, #tpu.memory_space<hbm>>) target(%arg5 : memref<256x128xf32, #tpu.memory_space<vmem>>) target_semaphore(%arg10 : memref<!tpu.dma_semaphore, #tpu.memory_space<semaphore_mem>>)
      } else {
      }
      %mul3A_78 = arith.constant 2 : i32
      %mul3A_79 = arith.muli %scan3A_45, %mul3A_78 : i32
      %add3A_80 = arith.constant 1 : i32
      %add3A_81 = arith.addi %mul3A_79, %add3A_80 : i32
      %mul3A_82 = arith.constant 256 : i32
      %mul3A_83 = arith.muli %add3A_81, %mul3A_82 : i32
      %dma_wait3A_84 = arith.constant 0 : i32
      %dma_wait3A_85 = tpu.memref_slice %arg2[%add3A, %mul3A_83, %dma_wait3A_84] : memref<32x2048x128xf32, #tpu.memory_space<hbm>> -> memref<1x256x128xf32, #tpu.memory_space<hbm>>
      %dma_wait3A_86 = tpu.memref_squeeze %dma_wait3A_85 : memref<1x256x128xf32, #tpu.memory_space<hbm>> -> memref<256x128xf32, #tpu.memory_space<hbm>>
      %dma_wait3A_87 = arith.constant 0 : i32
      %dma_wait3A_88 = tpu.memref_slice %arg2[%add3A, %mul3A_83, %dma_wait3A_87] : memref<32x2048x128xf32, #tpu.memory_space<hbm>> -> memref<1x256x128xf32, #tpu.memory_space<hbm>>
      %dma_wait3A_89 = tpu.memref_squeeze %dma_wait3A_88 : memref<1x256x128xf32, #tpu.memory_space<hbm>> -> memref<256x128xf32, #tpu.memory_space<hbm>>
      tpu.wait_dma2 semaphore(%arg11 : memref<!tpu.dma_semaphore, #tpu.memory_space<semaphore_mem>>) src(%dma_wait3A_89 : memref<256x128xf32, #tpu.memory_space<hbm>>) dst(%arg6 : memref<256x128xf32, #tpu.memory_space<vmem>>)
      %mul3A_90 = arith.constant 256 : i32
      %mul3A_91 = arith.muli %add3A_81, %mul3A_90 : i32
      %scan3A_92 = arith.constant 0 : i32
      %scan3A_93 = arith.constant 0 : i32
      %scan3A_94 = arith.constant 16 : i32
      %scan3A_95 = arith.addi %scan3A_93, %scan3A_94 : i32
      %scan3A_96 = arith.constant 1 : i32
      scf.for %scan3A_113 = %scan3A_93 to %scan3A_95 step %scan3A_96  : i32 {
        %mul3A_114 = arith.constant 16 : i32
        %mul3A_115 = arith.muli %scan3A_113, %mul3A_114 : i32
        %broadcast_in_dim3A = arith.constant 0.000000e+00 : f32
        %broadcast_in_dim3A_116 = vector.broadcast %broadcast_in_dim3A : f32 to vector<16xf32>
        %parallel_loop3A = arith.constant 0 : i32
        %parallel_loop3A_117 = arith.constant 32 : i32
        %parallel_loop3A_118 = arith.constant 1 : i32
        %parallel_loop3A_119:16 = scf.for %parallel_loop3A_285 = %parallel_loop3A to %parallel_loop3A_117 step %parallel_loop3A_118 iter_args(%parallel_loop3A_286 = %broadcast_in_dim3A_116, %parallel_loop3A_287 = %broadcast_in_dim3A_116, %parallel_loop3A_288 = %broadcast_in_dim3A_116, %parallel_loop3A_289 = %broadcast_in_dim3A_116, %parallel_loop3A_290 = %broadcast_in_dim3A_116, %parallel_loop3A_291 = %broadcast_in_dim3A_116, %parallel_loop3A_292 = %broadcast_in_dim3A_116, %parallel_loop3A_293 = %broadcast_in_dim3A_116, %parallel_loop3A_294 = %broadcast_in_dim3A_116, %parallel_loop3A_295 = %broadcast_in_dim3A_116, %parallel_loop3A_296 = %broadcast_in_dim3A_116, %parallel_loop3A_297 = %broadcast_in_dim3A_116, %parallel_loop3A_298 = %broadcast_in_dim3A_116, %parallel_loop3A_299 = %broadcast_in_dim3A_116, %parallel_loop3A_300 = %broadcast_in_dim3A_116, %parallel_loop3A_301 = %broadcast_in_dim3A_116) -> (vector<16xf32>, vector<16xf32>, vector<16xf32>, vector<16xf32>, vector<16xf32>, vector<16xf32>, vector<16xf32>, vector<16xf32>, vector<16xf32>, vector<16xf32>, vector<16xf32>, vector<16xf32>, vector<16xf32>, vector<16xf32>, vector<16xf32>, vector<16xf32>)  : i32 {
          %parallel_loop3A_302 = arith.constant 4 : i32
          %parallel_loop3A_303 = arith.muli %parallel_loop3A_285, %parallel_loop3A_302 : i32
          %parallel_loop3A_304 = arith.constant 0 : i32
          %parallel_loop3A_305 = arith.addi %parallel_loop3A_303, %parallel_loop3A_304 : i32
          %parallel_loop3A_306 = arith.constant 16 : i32
          %parallel_loop3A_307 = arith.muli %parallel_loop3A_305, %parallel_loop3A_306 : i32
          %parallel_loop3A_308 = arith.index_cast %parallel_loop3A_307 : i32 to index
          %parallel_loop3A_309 = tpu.vector_load %arg9[%parallel_loop3A_308] {strides = array<i32>} : memref<2048xi32, #tpu.memory_space<vmem>>, vector<16xi32>,
          %parallel_loop3A_310 = arith.constant 1 : i32
          %parallel_loop3A_311 = arith.addi %parallel_loop3A_303, %parallel_loop3A_310 : i32
          %parallel_loop3A_312 = arith.constant 16 : i32
          %parallel_loop3A_313 = arith.muli %parallel_loop3A_311, %parallel_loop3A_312 : i32
          %parallel_loop3A_314 = arith.index_cast %parallel_loop3A_313 : i32 to index
          %parallel_loop3A_315 = tpu.vector_load %arg9[%parallel_loop3A_314] {strides = array<i32>} : memref<2048xi32, #tpu.memory_space<vmem>>, vector<16xi32>,
          %parallel_loop3A_316 = arith.constant 2 : i32
          %parallel_loop3A_317 = arith.addi %parallel_loop3A_303, %parallel_loop3A_316 : i32
          %parallel_loop3A_318 = arith.constant 16 : i32
          %parallel_loop3A_319 = arith.muli %parallel_loop3A_317, %parallel_loop3A_318 : i32
          %parallel_loop3A_320 = arith.index_cast %parallel_loop3A_319 : i32 to index
          %parallel_loop3A_321 = tpu.vector_load %arg9[%parallel_loop3A_320] {strides = array<i32>} : memref<2048xi32, #tpu.memory_space<vmem>>, vector<16xi32>,
          %parallel_loop3A_322 = arith.constant 3 : i32
          %parallel_loop3A_323 = arith.addi %parallel_loop3A_303, %parallel_loop3A_322 : i32
          %parallel_loop3A_324 = arith.constant 16 : i32
          %parallel_loop3A_325 = arith.muli %parallel_loop3A_323, %parallel_loop3A_324 : i32
          %parallel_loop3A_326 = arith.index_cast %parallel_loop3A_325 : i32 to index
          %parallel_loop3A_327 = tpu.vector_load %arg9[%parallel_loop3A_326] {strides = array<i32>} : memref<2048xi32, #tpu.memory_space<vmem>>, vector<16xi32>,
          %parallel_loop3A_328 = arith.constant 0 : i32
          %parallel_loop3A_329 = tpu.memref_slice %arg6[%mul3A_115, %parallel_loop3A_328] : memref<256x128xf32, #tpu.memory_space<vmem>> -> memref<16x128xf32, #tpu.memory_space<vmem>>
          %parallel_loop3A_330 = tpu.vector_load_idx %parallel_loop3A_329[%mul3A_3, %parallel_loop3A_309] : memref<16x128xf32, #tpu.memory_space<vmem>>[vector<16xi32>, vector<16xi32>], vector<16xf32>,
          %parallel_loop3A_331 = math.exp %parallel_loop3A_330 : vector<16xf32>
          %parallel_loop3A_332 = arith.constant 0 : i32
          %parallel_loop3A_333 = tpu.memref_slice %arg6[%mul3A_115, %parallel_loop3A_332] : memref<256x128xf32, #tpu.memory_space<vmem>> -> memref<16x128xf32, #tpu.memory_space<vmem>>
          %parallel_loop3A_334 = tpu.vector_load_idx %parallel_loop3A_333[%mul3A_3, %parallel_loop3A_315] : memref<16x128xf32, #tpu.memory_space<vmem>>[vector<16xi32>, vector<16xi32>], vector<16xf32>,
          %parallel_loop3A_335 = math.exp %parallel_loop3A_334 : vector<16xf32>
          %parallel_loop3A_336 = arith.constant 0 : i32
          %parallel_loop3A_337 = tpu.memref_slice %arg6[%mul3A_115, %parallel_loop3A_336] : memref<256x128xf32, #tpu.memory_space<vmem>> -> memref<16x128xf32, #tpu.memory_space<vmem>>
          %parallel_loop3A_338 = tpu.vector_load_idx %parallel_loop3A_337[%mul3A_3, %parallel_loop3A_321] : memref<16x128xf32, #tpu.memory_space<vmem>>[vector<16xi32>, vector<16xi32>], vector<16xf32>,
          %parallel_loop3A_339 = math.exp %parallel_loop3A_338 : vector<16xf32>
          %parallel_loop3A_340 = arith.constant 0 : i32
          %parallel_loop3A_341 = tpu.memref_slice %arg6[%mul3A_115, %parallel_loop3A_340] : memref<256x128xf32, #tpu.memory_space<vmem>> -> memref<16x128xf32, #tpu.memory_space<vmem>>
          %parallel_loop3A_342 = tpu.vector_load_idx %parallel_loop3A_341[%mul3A_3, %parallel_loop3A_327] : memref<16x128xf32, #tpu.memory_space<vmem>>[vector<16xi32>, vector<16xi32>], vector<16xf32>,
          %parallel_loop3A_343 = math.exp %parallel_loop3A_342 : vector<16xf32>
          %parallel_loop3A_344 = arith.constant 0 : i32
          %parallel_loop3A_345 = arith.addi %parallel_loop3A_303, %parallel_loop3A_344 : i32
          %parallel_loop3A_346 = arith.constant 16 : i32
          %parallel_loop3A_347 = arith.muli %parallel_loop3A_345, %parallel_loop3A_346 : i32
          %parallel_loop3A_348 = arith.index_cast %parallel_loop3A_347 : i32 to index
          %parallel_loop3A_349 = tpu.vector_load %arg8[%parallel_loop3A_348] {strides = array<i32>} : memref<2048xf32, #tpu.memory_space<vmem>>, vector<16xf32>,
          tpu.vector_store %arg8[%parallel_loop3A_348], %parallel_loop3A_331 {strides = array<i32>} : memref<2048xf32, #tpu.memory_space<vmem>>, vector<16xf32>,
          %parallel_loop3A_350 = arith.constant 1 : i32
          %parallel_loop3A_351 = arith.addi %parallel_loop3A_303, %parallel_loop3A_350 : i32
          %parallel_loop3A_352 = arith.constant 16 : i32
          %parallel_loop3A_353 = arith.muli %parallel_loop3A_351, %parallel_loop3A_352 : i32
          %parallel_loop3A_354 = arith.index_cast %parallel_loop3A_353 : i32 to index
          %parallel_loop3A_355 = tpu.vector_load %arg8[%parallel_loop3A_354] {strides = array<i32>} : memref<2048xf32, #tpu.memory_space<vmem>>, vector<16xf32>,
          tpu.vector_store %arg8[%parallel_loop3A_354], %parallel_loop3A_335 {strides = array<i32>} : memref<2048xf32, #tpu.memory_space<vmem>>, vector<16xf32>,
          %parallel_loop3A_356 = arith.constant 2 : i32
          %parallel_loop3A_357 = arith.addi %parallel_loop3A_303, %parallel_loop3A_356 : i32
          %parallel_loop3A_358 = arith.constant 16 : i32
          %parallel_loop3A_359 = arith.muli %parallel_loop3A_357, %parallel_loop3A_358 : i32
          %parallel_loop3A_360 = arith.index_cast %parallel_loop3A_359 : i32 to index
          %parallel_loop3A_361 = tpu.vector_load %arg8[%parallel_loop3A_360] {strides = array<i32>} : memref<2048xf32, #tpu.memory_space<vmem>>, vector<16xf32>,
          tpu.vector_store %arg8[%parallel_loop3A_360], %parallel_loop3A_339 {strides = array<i32>} : memref<2048xf32, #tpu.memory_space<vmem>>, vector<16xf32>,
          %parallel_loop3A_362 = arith.constant 3 : i32
          %parallel_loop3A_363 = arith.addi %parallel_loop3A_303, %parallel_loop3A_362 : i32
          %parallel_loop3A_364 = arith.constant 16 : i32
          %parallel_loop3A_365 = arith.muli %parallel_loop3A_363, %parallel_loop3A_364 : i32
          %parallel_loop3A_366 = arith.index_cast %parallel_loop3A_365 : i32 to index
          %parallel_loop3A_367 = tpu.vector_load %arg8[%parallel_loop3A_366] {strides = array<i32>} : memref<2048xf32, #tpu.memory_space<vmem>>, vector<16xf32>,
          tpu.vector_store %arg8[%parallel_loop3A_366], %parallel_loop3A_343 {strides = array<i32>} : memref<2048xf32, #tpu.memory_space<vmem>>, vector<16xf32>,
          %parallel_loop3A_368 = arith.addf %parallel_loop3A_286, %parallel_loop3A_331 : vector<16xf32>
          %parallel_loop3A_369 = arith.maximumf %parallel_loop3A_331, %parallel_loop3A_287 : vector<16xf32>
          %parallel_loop3A_370 = arith.minimumf %parallel_loop3A_331, %parallel_loop3A_287 : vector<16xf32>
          %parallel_loop3A_371 = arith.maximumf %parallel_loop3A_370, %parallel_loop3A_288 : vector<16xf32>
          %parallel_loop3A_372 = arith.minimumf %parallel_loop3A_370, %parallel_loop3A_288 : vector<16xf32>
          %parallel_loop3A_373 = arith.maximumf %parallel_loop3A_372, %parallel_loop3A_289 : vector<16xf32>
          %parallel_loop3A_374 = arith.addf %parallel_loop3A_290, %parallel_loop3A_335 : vector<16xf32>
          %parallel_loop3A_375 = arith.maximumf %parallel_loop3A_335, %parallel_loop3A_291 : vector<16xf32>
          %parallel_loop3A_376 = arith.minimumf %parallel_loop3A_335, %parallel_loop3A_291 : vector<16xf32>
          %parallel_loop3A_377 = arith.maximumf %parallel_loop3A_376, %parallel_loop3A_292 : vector<16xf32>
          %parallel_loop3A_378 = arith.minimumf %parallel_loop3A_376, %parallel_loop3A_292 : vector<16xf32>
          %parallel_loop3A_379 = arith.maximumf %parallel_loop3A_378, %parallel_loop3A_293 : vector<16xf32>
          %parallel_loop3A_380 = arith.addf %parallel_loop3A_294, %parallel_loop3A_339 : vector<16xf32>
          %parallel_loop3A_381 = arith.maximumf %parallel_loop3A_339, %parallel_loop3A_295 : vector<16xf32>
          %parallel_loop3A_382 = arith.minimumf %parallel_loop3A_339, %parallel_loop3A_295 : vector<16xf32>
          %parallel_loop3A_383 = arith.maximumf %parallel_loop3A_382, %parallel_loop3A_296 : vector<16xf32>
          %parallel_loop3A_384 = arith.minimumf %parallel_loop3A_382, %parallel_loop3A_296 : vector<16xf32>
          %parallel_loop3A_385 = arith.maximumf %parallel_loop3A_384, %parallel_loop3A_297 : vector<16xf32>
          %parallel_loop3A_386 = arith.addf %parallel_loop3A_298, %parallel_loop3A_343 : vector<16xf32>
          %parallel_loop3A_387 = arith.maximumf %parallel_loop3A_343, %parallel_loop3A_299 : vector<16xf32>
          %parallel_loop3A_388 = arith.minimumf %parallel_loop3A_343, %parallel_loop3A_299 : vector<16xf32>
          %parallel_loop3A_389 = arith.maximumf %parallel_loop3A_388, %parallel_loop3A_300 : vector<16xf32>
          %parallel_loop3A_390 = arith.minimumf %parallel_loop3A_388, %parallel_loop3A_300 : vector<16xf32>
          %parallel_loop3A_391 = arith.maximumf %parallel_loop3A_390, %parallel_loop3A_301 : vector<16xf32>
          scf.yield %parallel_loop3A_368, %parallel_loop3A_369, %parallel_loop3A_371, %parallel_loop3A_373, %parallel_loop3A_374, %parallel_loop3A_375, %parallel_loop3A_377, %parallel_loop3A_379, %parallel_loop3A_380, %parallel_loop3A_381, %parallel_loop3A_383, %parallel_loop3A_385, %parallel_loop3A_386, %parallel_loop3A_387, %parallel_loop3A_389, %parallel_loop3A_391 : vector<16xf32>, vector<16xf32>, vector<16xf32>, vector<16xf32>, vector<16xf32>, vector<16xf32>, vector<16xf32>, vector<16xf32>, vector<16xf32>, vector<16xf32>, vector<16xf32>, vector<16xf32>, vector<16xf32>, vector<16xf32>, vector<16xf32>, vector<16xf32>
        } {sc.loop_unroll_factor = 2 : i64, sc.parallel_access}
        %add3A_120 = arith.addf %parallel_loop3A_119#0, %parallel_loop3A_119#4 : vector<16xf32>
        %add3A_121 = arith.addf %add3A_120, %parallel_loop3A_119#8 : vector<16xf32>
        %add3A_122 = arith.addf %add3A_121, %parallel_loop3A_119#12 : vector<16xf32>
        %max3A = arith.maximumf %parallel_loop3A_119#5, %parallel_loop3A_119#1 : vector<16xf32>
        %min3A = arith.minimumf %parallel_loop3A_119#5, %parallel_loop3A_119#1 : vector<16xf32>
        %max3A_123 = arith.maximumf %min3A, %parallel_loop3A_119#2 : vector<16xf32>
        %min3A_124 = arith.minimumf %min3A, %parallel_loop3A_119#2 : vector<16xf32>
        %max3A_125 = arith.maximumf %min3A_124, %parallel_loop3A_119#3 : vector<16xf32>
        %max3A_126 = arith.maximumf %parallel_loop3A_119#6, %max3A : vector<16xf32>
        %min3A_127 = arith.minimumf %parallel_loop3A_119#6, %max3A : vector<16xf32>
        %max3A_128 = arith.maximumf %min3A_127, %max3A_123 : vector<16xf32>
        %min3A_129 = arith.minimumf %min3A_127, %max3A_123 : vector<16xf32>
        %max3A_130 = arith.maximumf %min3A_129, %max3A_125 : vector<16xf32>
        %max3A_131 = arith.maximumf %parallel_loop3A_119#7, %max3A_126 : vector<16xf32>
        %min3A_132 = arith.minimumf %parallel_loop3A_119#7, %max3A_126 : vector<16xf32>
        %max3A_133 = arith.maximumf %min3A_132, %max3A_128 : vector<16xf32>
        %min3A_134 = arith.minimumf %min3A_132, %max3A_128 : vector<16xf32>
        %max3A_135 = arith.maximumf %min3A_134, %max3A_130 : vector<16xf32>
        %max3A_136 = arith.maximumf %parallel_loop3A_119#9, %max3A_131 : vector<16xf32>
        %min3A_137 = arith.minimumf %parallel_loop3A_119#9, %max3A_131 : vector<16xf32>
        %max3A_138 = arith.maximumf %min3A_137, %max3A_133 : vector<16xf32>
        %min3A_139 = arith.minimumf %min3A_137, %max3A_133 : vector<16xf32>
        %max3A_140 = arith.maximumf %min3A_139, %max3A_135 : vector<16xf32>
        %max3A_141 = arith.maximumf %parallel_loop3A_119#10, %max3A_136 : vector<16xf32>
        %min3A_142 = arith.minimumf %parallel_loop3A_119#10, %max3A_136 : vector<16xf32>
        %max3A_143 = arith.maximumf %min3A_142, %max3A_138 : vector<16xf32>
        %min3A_144 = arith.minimumf %min3A_142, %max3A_138 : vector<16xf32>
        %max3A_145 = arith.maximumf %min3A_144, %max3A_140 : vector<16xf32>
        %max3A_146 = arith.maximumf %parallel_loop3A_119#11, %max3A_141 : vector<16xf32>
        %min3A_147 = arith.minimumf %parallel_loop3A_119#11, %max3A_141 : vector<16xf32>
        %max3A_148 = arith.maximumf %min3A_147, %max3A_143 : vector<16xf32>
        %min3A_149 = arith.minimumf %min3A_147, %max3A_143 : vector<16xf32>
        %max3A_150 = arith.maximumf %min3A_149, %max3A_145 : vector<16xf32>
        %max3A_151 = arith.maximumf %parallel_loop3A_119#13, %max3A_146 : vector<16xf32>
        %min3A_152 = arith.minimumf %parallel_loop3A_119#13, %max3A_146 : vector<16xf32>
        %max3A_153 = arith.maximumf %min3A_152, %max3A_148 : vector<16xf32>
        %min3A_154 = arith.minimumf %min3A_152, %max3A_148 : vector<16xf32>
        %max3A_155 = arith.maximumf %min3A_154, %max3A_150 : vector<16xf32>
        %max3A_156 = arith.maximumf %parallel_loop3A_119#14, %max3A_151 : vector<16xf32>
        %min3A_157 = arith.minimumf %parallel_loop3A_119#14, %max3A_151 : vector<16xf32>
        %max3A_158 = arith.maximumf %min3A_157, %max3A_153 : vector<16xf32>
        %min3A_159 = arith.minimumf %min3A_157, %max3A_153 : vector<16xf32>
        %max3A_160 = arith.maximumf %min3A_159, %max3A_155 : vector<16xf32>
        %max3A_161 = arith.maximumf %parallel_loop3A_119#15, %max3A_156 : vector<16xf32>
        %min3A_162 = arith.minimumf %parallel_loop3A_119#15, %max3A_156 : vector<16xf32>
        %max3A_163 = arith.maximumf %min3A_162, %max3A_158 : vector<16xf32>
        %min3A_164 = arith.minimumf %min3A_162, %max3A_158 : vector<16xf32>
        %max3A_165 = arith.maximumf %min3A_164, %max3A_160 : vector<16xf32>
        %sub3A = arith.constant 1 : i32
        %sub3A_166 = vector.broadcast %sub3A : i32 to vector<16xi32>
        %sub3A_167 = arith.subi %sub3A_166, %iota3A : vector<16xi32>
        %and3A = arith.constant 127 : i32
        %and3A_168 = vector.broadcast %and3A : i32 to vector<16xi32>
        %and3A_169 = arith.andi %sub3A_167, %and3A_168 : vector<16xi32>
        %mul3A_170 = arith.constant 16 : i32
        %mul3A_171 = vector.broadcast %mul3A_170 : i32 to vector<16xi32>
        %mul3A_172 = arith.muli %and3A_169, %mul3A_171 : vector<16xi32>
        %add3A_173 = arith.addi %mul3A_172, %iota3A : vector<16xi32>
        %gather3A = tpu.vector_load_idx %arg8[%add3A_173] : memref<2048xf32, #tpu.memory_space<vmem>>[vector<16xi32>], vector<16xf32>,
        %mul3A_174 = arith.constant 16 : i32
        %mul3A_175 = arith.muli %scan3A_113, %mul3A_174 : i32
        %add3A_176 = arith.addi %mul3A_91, %mul3A_175 : i32
        %get3A = arith.constant 0 : i32
        %get3A_177 = arith.index_cast %get3A : i32 to index
        %get3A_178 = arith.index_cast %add3A_176 : i32 to index
        %get3A_179 = tpu.vector_load %arg7[%get3A_177, %get3A_178] {strides = array<i32>} : memref<4x2048xf32, #tpu.memory_space<vmem>>, vector<16xf32>,
        %mul3A_180 = arith.constant 16 : i32
        %mul3A_181 = arith.muli %scan3A_113, %mul3A_180 : i32
        %add3A_182 = arith.addi %mul3A_91, %mul3A_181 : i32
        %get3A_183 = arith.constant 1 : i32
        %get3A_184 = arith.index_cast %get3A_183 : i32 to index
        %get3A_185 = arith.index_cast %add3A_182 : i32 to index
        %get3A_186 = tpu.vector_load %arg7[%get3A_184, %get3A_185] {strides = array<i32>} : memref<4x2048xf32, #tpu.memory_space<vmem>>, vector<16xf32>,
        %mul3A_187 = arith.constant 16 : i32
        %mul3A_188 = arith.muli %scan3A_113, %mul3A_187 : i32
        %add3A_189 = arith.addi %mul3A_91, %mul3A_188 : i32
        %get3A_190 = arith.constant 2 : i32
        %get3A_191 = arith.index_cast %get3A_190 : i32 to index
        %get3A_192 = arith.index_cast %add3A_189 : i32 to index
        %get3A_193 = tpu.vector_load %arg7[%get3A_191, %get3A_192] {strides = array<i32>} : memref<4x2048xf32, #tpu.memory_space<vmem>>, vector<16xf32>,
        %mul3A_194 = arith.constant 16 : i32
        %mul3A_195 = arith.muli %scan3A_113, %mul3A_194 : i32
        %add3A_196 = arith.addi %mul3A_91, %mul3A_195 : i32
        %get3A_197 = arith.constant 3 : i32
        %get3A_198 = arith.index_cast %get3A_197 : i32 to index
        %get3A_199 = arith.index_cast %add3A_196 : i32 to index
        %get3A_200 = tpu.vector_load %arg7[%get3A_198, %get3A_199] {strides = array<i32>} : memref<4x2048xf32, #tpu.memory_space<vmem>>, vector<16xf32>,
        %mul3A_201 = arith.constant 6.000000e-01 : f32
        %mul3A_202 = vector.broadcast %mul3A_201 : f32 to vector<16xf32>
        %mul3A_203 = arith.mulf %mul3A_202, %gather3A : vector<16xf32>
        %add3A_204 = arith.addf %add3A_122, %mul3A_203 : vector<16xf32>
        %mul3A_205 = arith.constant 3.000000e-01 : f32
        %mul3A_206 = vector.broadcast %mul3A_205 : f32 to vector<16xf32>
        %mul3A_207 = arith.mulf %mul3A_206, %max3A_161 : vector<16xf32>
        %add3A_208 = arith.addf %add3A_122, %mul3A_207 : vector<16xf32>
        %mul3A_209 = arith.mulf %add3A_204, %add3A_208 : vector<16xf32>
        %mul3A_210 = arith.mulf %add3A_122, %mul3A_209 : vector<16xf32>
        %div3A = arith.constant 1.000000e+00 : f32
        %div3A_211 = vector.broadcast %div3A : f32 to vector<16xf32>
        %div3A_212 = arith.divf %div3A_211, %mul3A_210 : vector<16xf32>
        %mul3A_213 = arith.mulf %div3A_212, %mul3A_209 : vector<16xf32>
        %mul3A_214 = arith.mulf %div3A_212, %add3A_122 : vector<16xf32>
        %mul3A_215 = arith.mulf %mul3A_214, %add3A_208 : vector<16xf32>
        %mul3A_216 = arith.mulf %div3A_212, %add3A_122 : vector<16xf32>
        %mul3A_217 = arith.mulf %mul3A_216, %add3A_204 : vector<16xf32>
        %mul3A_218 = arith.constant 2.000000e-01 : f32
        %mul3A_219 = vector.broadcast %mul3A_218 : f32 to vector<16xf32>
        %mul3A_220 = arith.mulf %mul3A_219, %get3A_186 : vector<16xf32>
        %mul3A_221 = arith.mulf %mul3A_220, %mul3A_213 : vector<16xf32>
        %mul3A_222 = arith.constant 2.000000e-01 : f32
        %mul3A_223 = vector.broadcast %mul3A_222 : f32 to vector<16xf32>
        %mul3A_224 = arith.mulf %mul3A_223, %get3A_193 : vector<16xf32>
        %mul3A_225 = arith.constant 2.000000e-01 : f32
        %mul3A_226 = vector.broadcast %mul3A_225 : f32 to vector<16xf32>
        %mul3A_227 = arith.mulf %mul3A_226, %get3A_186 : vector<16xf32>
        %add3A_228 = arith.constant 8.000000e-01 : f32
        %add3A_229 = vector.broadcast %add3A_228 : f32 to vector<16xf32>
        %add3A_230 = arith.addf %add3A_229, %mul3A_227 : vector<16xf32>
        %mul3A_231 = arith.constant 0.699999988 : f32
        %mul3A_232 = vector.broadcast %mul3A_231 : f32 to vector<16xf32>
        %mul3A_233 = arith.mulf %mul3A_232, %mul3A_224 : vector<16xf32>
        %add3A_234 = arith.addf %add3A_230, %mul3A_233 : vector<16xf32>
        %mul3A_235 = arith.mulf %add3A_234, %mul3A_213 : vector<16xf32>
        %mul3A_236 = arith.constant 8.000000e-02 : f32
        %mul3A_237 = vector.broadcast %mul3A_236 : f32 to vector<16xf32>
        %mul3A_238 = arith.mulf %mul3A_237, %get3A_179 : vector<16xf32>
        %mul3A_239 = arith.mulf %mul3A_238, %mul3A_215 : vector<16xf32>
        %add3A_240 = arith.addf %mul3A_235, %mul3A_239 : vector<16xf32>
        %mul3A_241 = arith.constant 2.000000e-01 : f32
        %mul3A_242 = vector.broadcast %mul3A_241 : f32 to vector<16xf32>
        %mul3A_243 = arith.mulf %mul3A_242, %get3A_200 : vector<16xf32>
        %mul3A_244 = arith.mulf %mul3A_243, %mul3A_217 : vector<16xf32>
        %add3A_245 = arith.addf %add3A_240, %mul3A_244 : vector<16xf32>
        %mul3A_246 = arith.constant 1.000000e-01 : f32
        %mul3A_247 = vector.broadcast %mul3A_246 : f32 to vector<16xf32>
        %mul3A_248 = arith.mulf %mul3A_247, %mul3A_221 : vector<16xf32>
        %add3A_249 = arith.addf %max3A_161, %max3A_163 : vector<16xf32>
        %add3A_250 = arith.addf %add3A_249, %max3A_165 : vector<16xf32>
        %mul3A_251 = arith.mulf %mul3A_248, %add3A_250 : vector<16xf32>
        %mul3A_252 = arith.constant 1.200000e-01 : f32
        %mul3A_253 = vector.broadcast %mul3A_252 : f32 to vector<16xf32>
        %mul3A_254 = arith.mulf %mul3A_253, %get3A_179 : vector<16xf32>
        %add3A_255 = arith.addf %gather3A, %add3A_122 : vector<16xf32>
        %mul3A_256 = arith.mulf %add3A_255, %mul3A_215 : vector<16xf32>
        %mul3A_257 = arith.mulf %mul3A_254, %mul3A_256 : vector<16xf32>
        %mul3A_258 = arith.constant 2.343750e-03 : f32
        %mul3A_259 = vector.broadcast %mul3A_258 : f32 to vector<16xf32>
        %mul3A_260 = arith.mulf %mul3A_224, %mul3A_259 : vector<16xf32>
        %add3A_261 = arith.addf %mul3A_260, %mul3A_251 : vector<16xf32>
        %mul3A_262 = arith.constant 3.000000e-01 : f32
        %mul3A_263 = vector.broadcast %mul3A_262 : f32 to vector<16xf32>
        %mul3A_264 = arith.mulf %mul3A_263, %mul3A_221 : vector<16xf32>
        %sub3A_265 = arith.subf %add3A_245, %mul3A_264 : vector<16xf32>
        %mul3A_266 = arith.constant 6.000000e-02 : f32
        %mul3A_267 = vector.broadcast %mul3A_266 : f32 to vector<16xf32>
        %mul3A_268 = arith.mulf %mul3A_267, %get3A_200 : vector<16xf32>
        %mul3A_269 = arith.mulf %mul3A_268, %mul3A_217 : vector<16xf32>
        %add3A_270 = arith.addf %sub3A_265, %mul3A_269 : vector<16xf32>
        %parallel_loop3A_271 = arith.constant 0 : i32
        %parallel_loop3A_272 = arith.constant 128 : i32
        %parallel_loop3A_273 = arith.constant 1 : i32
        scf.for %parallel_loop3A_285 = %parallel_loop3A_271 to %parallel_loop3A_272 step %parallel_loop3A_273  : i32 {
          %parallel_loop3A_286 = arith.constant 16 : i32
          %parallel_loop3A_287 = arith.muli %parallel_loop3A_285, %parallel_loop3A_286 : i32
          %parallel_loop3A_288 = arith.index_cast %parallel_loop3A_287 : i32 to index
          %parallel_loop3A_289 = tpu.vector_load %arg9[%parallel_loop3A_288] {strides = array<i32>} : memref<2048xi32, #tpu.memory_space<vmem>>, vector<16xi32>,
          %parallel_loop3A_290 = arith.constant 16 : i32
          %parallel_loop3A_291 = arith.muli %parallel_loop3A_285, %parallel_loop3A_290 : i32
          %parallel_loop3A_292 = arith.index_cast %parallel_loop3A_291 : i32 to index
          %parallel_loop3A_293 = tpu.vector_load %arg8[%parallel_loop3A_292] {strides = array<i32>} : memref<2048xf32, #tpu.memory_space<vmem>>, vector<16xf32>,
          %parallel_loop3A_294 = arith.cmpf oge, %parallel_loop3A_293, %max3A_165 : vector<16xf32>
          %parallel_loop3A_295 = arith.select %parallel_loop3A_294, %sub3A_265, %add3A_245 : vector<16xi1>, vector<16xf32>
          %parallel_loop3A_296 = arith.cmpf oeq, %parallel_loop3A_293, %max3A_161 : vector<16xf32>
          %parallel_loop3A_297 = arith.select %parallel_loop3A_296, %add3A_270, %parallel_loop3A_295 : vector<16xi1>, vector<16xf32>
          %parallel_loop3A_298 = arith.select %parallel_loop3A_294, %add3A_261, %mul3A_260 : vector<16xi1>, vector<16xf32>
          %parallel_loop3A_299 = arith.mulf %parallel_loop3A_293, %parallel_loop3A_297 : vector<16xf32>
          %parallel_loop3A_300 = arith.addf %parallel_loop3A_299, %parallel_loop3A_298 : vector<16xf32>
          %parallel_loop3A_301 = arith.constant 0 : i32
          %parallel_loop3A_302 = tpu.memref_slice %arg6[%mul3A_115, %parallel_loop3A_301] : memref<256x128xf32, #tpu.memory_space<vmem>> -> memref<16x128xf32, #tpu.memory_space<vmem>>
          tpu.vector_store_idx %parallel_loop3A_302[%mul3A_3, %parallel_loop3A_289], %parallel_loop3A_300 : memref<16x128xf32, #tpu.memory_space<vmem>>[vector<16xi32>, vector<16xi32>], vector<16xf32>,
        } {sc.loop_unroll_factor = 16 : i64, sc.parallel_access}
        %mul3A_274 = arith.constant 128 : i32
        %mul3A_275 = vector.broadcast %mul3A_274 : i32 to vector<16xi32>
        %mul3A_276 = arith.muli %iota3A, %mul3A_275 : vector<16xi32>
        %add3A_277 = arith.constant 1 : i32
        %add3A_278 = vector.broadcast %add3A_277 : i32 to vector<16xi32>
        %add3A_279 = arith.addi %mul3A_276, %add3A_278 : vector<16xi32>
        %gather3A_280 = arith.constant 0 : i32
        %gather3A_281 = tpu.memref_slice %arg6[%mul3A_115, %gather3A_280] : memref<256x128xf32, #tpu.memory_space<vmem>> -> memref<16x128xf32, #tpu.memory_space<vmem>>
        %gather3A_282 = tpu.vector_load_idx %gather3A_281[%mul3A_3, %add3A_279] : memref<16x128xf32, #tpu.memory_space<vmem>>[vector<16xi32>, vector<16xi32>], vector<16xf32>,
        %add3A_283 = arith.addf %gather3A_282, %mul3A_257 : vector<16xf32>
        %scatter3A = arith.constant 0 : i32
        %scatter3A_284 = tpu.memref_slice %arg6[%mul3A_115, %scatter3A] : memref<256x128xf32, #tpu.memory_space<vmem>> -> memref<16x128xf32, #tpu.memory_space<vmem>>
        tpu.vector_store_idx %scatter3A_284[%mul3A_3, %add3A_279], %add3A_283 : memref<16x128xf32, #tpu.memory_space<vmem>>[vector<16xi32>, vector<16xi32>], vector<16xf32>,
      }
      %scan3A_97 = arith.constant 16 : i32
      %mul3A_98 = arith.constant 256 : i32
      %mul3A_99 = arith.muli %add3A_81, %mul3A_98 : i32
      %dma_start3A_100 = arith.constant 0 : i32
      %dma_start3A_101 = tpu.memref_slice %arg4[%add3A, %mul3A_99, %dma_start3A_100] : memref<32x2048x128xf32, #tpu.memory_space<hbm>> -> memref<1x256x128xf32, #tpu.memory_space<hbm>>
      %dma_start3A_102 = tpu.memref_squeeze %dma_start3A_101 : memref<1x256x128xf32, #tpu.memory_space<hbm>> -> memref<256x128xf32, #tpu.memory_space<hbm>>
      %dma_start3A_103 = arith.constant 0 : i32
      %dma_start3A_104 = tpu.memref_slice %arg4[%add3A, %mul3A_99, %dma_start3A_103] : memref<32x2048x128xf32, #tpu.memory_space<hbm>> -> memref<1x256x128xf32, #tpu.memory_space<hbm>>
      %dma_start3A_105 = tpu.memref_squeeze %dma_start3A_104 : memref<1x256x128xf32, #tpu.memory_space<hbm>> -> memref<256x128xf32, #tpu.memory_space<hbm>>
      tpu.enqueue_dma source(%arg6 : memref<256x128xf32, #tpu.memory_space<vmem>>) target(%dma_start3A_105 : memref<256x128xf32, #tpu.memory_space<hbm>>) target_semaphore(%arg13 : memref<!tpu.dma_semaphore, #tpu.memory_space<semaphore_mem>>)
      %add3A_106 = arith.constant 2 : i32
      %add3A_107 = arith.addi %add3A_81, %add3A_106 : i32
      %lt3A_108 = arith.constant 8 : i32
      %lt3A_109 = arith.cmpi slt, %add3A_107, %lt3A_108 : i32
      %convert_element_type3A_110 = arith.extui %lt3A_109 : i1 to i32
      %cond3A_111 = arith.constant 0 : i32
      %cond3A_112 = arith.cmpi ne, %convert_element_type3A_110, %cond3A_111 : i32
      scf.if %cond3A_112 {
        %mul3A_113 = arith.constant 256 : i32
        %mul3A_114 = arith.muli %add3A_81, %mul3A_113 : i32
        %dma_wait3A_115 = arith.constant 0 : i32
        %dma_wait3A_116 = tpu.memref_slice %arg4[%add3A, %mul3A_114, %dma_wait3A_115] : memref<32x2048x128xf32, #tpu.memory_space<hbm>> -> memref<1x256x128xf32, #tpu.memory_space<hbm>>
        %dma_wait3A_117 = tpu.memref_squeeze %dma_wait3A_116 : memref<1x256x128xf32, #tpu.memory_space<hbm>> -> memref<256x128xf32, #tpu.memory_space<hbm>>
        %dma_wait3A_118 = arith.constant 0 : i32
        %dma_wait3A_119 = tpu.memref_slice %arg4[%add3A, %mul3A_114, %dma_wait3A_118] : memref<32x2048x128xf32, #tpu.memory_space<hbm>> -> memref<1x256x128xf32, #tpu.memory_space<hbm>>
        %dma_wait3A_120 = tpu.memref_squeeze %dma_wait3A_119 : memref<1x256x128xf32, #tpu.memory_space<hbm>> -> memref<256x128xf32, #tpu.memory_space<hbm>>
        tpu.wait_dma2 semaphore(%arg13 : memref<!tpu.dma_semaphore, #tpu.memory_space<semaphore_mem>>) src(%arg6 : memref<256x128xf32, #tpu.memory_space<vmem>>) dst(%dma_wait3A_120 : memref<256x128xf32, #tpu.memory_space<hbm>>)
        %add3A_121 = arith.constant 2 : i32
        %add3A_122 = arith.addi %add3A_81, %add3A_121 : i32
        %mul3A_123 = arith.constant 256 : i32
        %mul3A_124 = arith.muli %add3A_122, %mul3A_123 : i32
        %dma_start3A_125 = arith.constant 0 : i32
        %dma_start3A_126 = tpu.memref_slice %arg2[%add3A, %mul3A_124, %dma_start3A_125] : memref<32x2048x128xf32, #tpu.memory_space<hbm>> -> memref<1x256x128xf32, #tpu.memory_space<hbm>>
        %dma_start3A_127 = tpu.memref_squeeze %dma_start3A_126 : memref<1x256x128xf32, #tpu.memory_space<hbm>> -> memref<256x128xf32, #tpu.memory_space<hbm>>
        %dma_start3A_128 = arith.constant 0 : i32
        %dma_start3A_129 = tpu.memref_slice %arg2[%add3A, %mul3A_124, %dma_start3A_128] : memref<32x2048x128xf32, #tpu.memory_space<hbm>> -> memref<1x256x128xf32, #tpu.memory_space<hbm>>
        %dma_start3A_130 = tpu.memref_squeeze %dma_start3A_129 : memref<1x256x128xf32, #tpu.memory_space<hbm>> -> memref<256x128xf32, #tpu.memory_space<hbm>>
        tpu.enqueue_dma source(%dma_start3A_130 : memref<256x128xf32, #tpu.memory_space<hbm>>) target(%arg6 : memref<256x128xf32, #tpu.memory_space<vmem>>) target_semaphore(%arg11 : memref<!tpu.dma_semaphore, #tpu.memory_space<semaphore_mem>>)
      } else {
      }
    }
    %scan3A_29 = arith.constant 4 : i32
    %dma_wait3A = arith.constant 1536 : i32
    %dma_wait3A_30 = arith.constant 0 : i32
    %dma_wait3A_31 = tpu.memref_slice %arg4[%add3A, %dma_wait3A, %dma_wait3A_30] : memref<32x2048x128xf32, #tpu.memory_space<hbm>> -> memref<1x256x128xf32, #tpu.memory_space<hbm>>
    %dma_wait3A_32 = tpu.memref_squeeze %dma_wait3A_31 : memref<1x256x128xf32, #tpu.memory_space<hbm>> -> memref<256x128xf32, #tpu.memory_space<hbm>>
    %dma_wait3A_33 = arith.constant 1536 : i32
    %dma_wait3A_34 = arith.constant 0 : i32
    %dma_wait3A_35 = tpu.memref_slice %arg4[%add3A, %dma_wait3A_33, %dma_wait3A_34] : memref<32x2048x128xf32, #tpu.memory_space<hbm>> -> memref<1x256x128xf32, #tpu.memory_space<hbm>>
    %dma_wait3A_36 = tpu.memref_squeeze %dma_wait3A_35 : memref<1x256x128xf32, #tpu.memory_space<hbm>> -> memref<256x128xf32, #tpu.memory_space<hbm>>
    tpu.wait_dma2 semaphore(%arg12 : memref<!tpu.dma_semaphore, #tpu.memory_space<semaphore_mem>>) src(%arg5 : memref<256x128xf32, #tpu.memory_space<vmem>>) dst(%dma_wait3A_36 : memref<256x128xf32, #tpu.memory_space<hbm>>)
    %dma_wait3A_37 = arith.constant 1792 : i32
    %dma_wait3A_38 = arith.constant 0 : i32
    %dma_wait3A_39 = tpu.memref_slice %arg4[%add3A, %dma_wait3A_37, %dma_wait3A_38] : memref<32x2048x128xf32, #tpu.memory_space<hbm>> -> memref<1x256x128xf32, #tpu.memory_space<hbm>>
    %dma_wait3A_40 = tpu.memref_squeeze %dma_wait3A_39 : memref<1x256x128xf32, #tpu.memory_space<hbm>> -> memref<256x128xf32, #tpu.memory_space<hbm>>
    %dma_wait3A_41 = arith.constant 1792 : i32
    %dma_wait3A_42 = arith.constant 0 : i32
    %dma_wait3A_43 = tpu.memref_slice %arg4[%add3A, %dma_wait3A_41, %dma_wait3A_42] : memref<32x2048x128xf32, #tpu.memory_space<hbm>> -> memref<1x256x128xf32, #tpu.memory_space<hbm>>
    %dma_wait3A_44 = tpu.memref_squeeze %dma_wait3A_43 : memref<1x256x128xf32, #tpu.memory_space<hbm>> -> memref<256x128xf32, #tpu.memory_space<hbm>>
    tpu.wait_dma2 semaphore(%arg13 : memref<!tpu.dma_semaphore, #tpu.memory_space<semaphore_mem>>) src(%arg6 : memref<256x128xf32, #tpu.memory_space<vmem>>) dst(%dma_wait3A_44 : memref<256x128xf32, #tpu.memory_space<hbm>>)
    return
  }
}

</mosaic_0001>

<sc_bundles>
// kernel: kernel.3.cloned.1.call-start
scs
__scs_entry_jumppad:
0x0: {  	(pc) =	sbr.rel $0x88, $3  }
0x1: {  	(tag) =	ssettag $0x0;
	lr =	simm.s32 $0x1  }
0x2: {  	[smem:$0x3F9F] =	sst lr;
	_ =	strace $0xD0000000  }
0x3: {  	_ = 	snop  }
0x4: {  	_ = 	snop  }
0x5: {  	_ = 	snop  }
0x6: {  	_ = 	snop  }
0x7: {  	_ = 	snop  }
__scs_overlays_trampoline_lowered:
0x8: {  	[smem:$0x3FAE] =	sst s0  }
0x9: {  	[smem:$0x3FAF] =	sst s1  }
0xa: {  	[smem:$0x3FB0] =	sst s2  }
0xb: {  	[smem:$0x3FB1] =	sst s3  }
0xc: {  	[smem:$0x3FB2] =	sst s4  }
0xd: {  	[smem:$0x3FB3] =	sst s5  }
0xe: {  	[smem:$0x3FB4] =	sst s6  }
0xf: {  	[smem:$0x3FB5] =	sst s7  }
0x10: {  	[smem:$0x3FB6] =	sst s8  }
0x11: {  	[smem:$0x3FB7] =	sst s9;
	s0 =	simm.s32 @!p0 $0x0  }
0x12: {  	s1 =	sld [smem:$0x3F9D];
	s0 =	simm.s32 @p0 $0x1  }
0x13: {  	[smem:$0x3FB8] =	sst s0;
	s0 =	simm.s32 @!p1 $0x0  }
0x14: {  	s2 =	sld [smem:$0x3F9C];
	s0 =	simm.s32 @p1 $0x1  }
0x15: {  	[smem:$0x3FB9] =	sst s0;
	s0 =	simm.s32 @!p2 $0x0  }
0x16: {  	s3 =	sld [smem:$0x3FDB];
	s0 =	simm.s32 @p2 $0x1  }
0x17: {  	s4 =	simm.s32 $0x1BF5;
	[smem:$0x3FBB] =	sst s0  }
0x18: {  	s0 =	sld [smem:$0x3F9E];
	_ =	swait.ge [sflag:s4], $0x0  }
0x19: {  	s7 =	sld [smem:$0x3F9F]  }
0x1a: {  	s8 =	sadd.s32 $0xFFFFE003, lr  }
0x1b: {  	s9 =	sadd.s32 $0xFFFFFEF7, lr;
	s5 =	simm.s32 $0xFFFFFFFF;
	p2 =	slt.u32 s8, $0xFFFFF086  }
0x1c: {  	p1 =	slt.u32 s9, $0xF7A;
	s5 =	simm.s32 @!p2 $0x0  }
0x1d: {  	s5 =	simm.s32 @p1 $0x1;
	p0 =	seq.s32 s7, s2  }
0x1e: {  	s7 =	smul.u32 @!p0 $0xF7A, s2;
	p2 =	seq.s32 @!p0 s5, $0x0  }
0x1f: {  	s9 =	smul.u32 $0xF7A, s1;
	s8 =	simm.s32 @!p0 $0x1BF5;
	p2 =	por !p2, p0  }
0x20: {  	[sflag:s8] =	ssyncset.s32 @!p0 $0xFFFFF086;
	s6 =	sadd.s32 @!p0 s3, s7;
	s7 =	simm.s32 @!p0 $0x108  }
0x21: {  	s3 =	sadd.s32 s3, s9;
	s6 =	sadd.s32 @!p0 $0x88, s6;
	s7 =	simm.s32 @p2 $0x1082  }
0x22: {  	[simem:s7], [sflag:s8] =	dma.local @!p0 [hbm:s6], $0xF7A  }
0x23: {  	s9 =	sor.u32 $0xD0000000, s2;
	s6 =	simm.s32 $0x108;
	_ =	swait.ge @!p0 [sflag:s8], $0x0  }
0x24: {  	s3 =	sadd.s32 $0x88, s3;
	s6 =	simm.s32 @!p1 $0x1082;
	[sflag:s4] =	ssyncset.s32 $0xFFFFF086  }
0x25: {  	[simem:s6], [sflag:s4] =	dma.local [hbm:s3], $0xF7A  }
0x26: {  	[smem:$0x3F9F] =	sst s1;
	(tag) =	ssettag s2;
	_ =	strace s9  }
0x27: {  	s1 =	sld [smem:$0x3FAF]  }
0x28: {  	s2 =	sld [smem:$0x3FB0]  }
0x29: {  	s4 =	sld [smem:$0x3FB2]  }
0x2a: {  	p0 =	seq.s32 s5, $0x0;
	s5 =	sld [smem:$0x3FB3]  }
0x2b: {  	s6 =	sld [smem:$0x3FB4]  }
0x2c: {  	s7 =	sld [smem:$0x3FB5]  }
0x2d: {  	s3 =	simm.s32 $0x108;
	s8 =	sld [smem:$0x3FB6]  }
0x2e: {  	s3 =	simm.s32 @!p0 $0x1082;
	s9 =	sld [smem:$0x3FB7]  }
0x2f: {  	lr =	sadd.s32 s0, s3;
	s0 =	sld [smem:$0x3FAE]  }
0x30: {  	s3 =	sld [smem:$0x3FB1]  }
0x31: {  	[smem:$0x3FBA] =	sst s10  }
0x32: {  	s10 =	sld [smem:$0x3FB8];
	_ =	sdelay $0x3  }
0x33: {  	p0 =	seq.s32 s10, $0x1;
	s10 =	sld [smem:$0x3FBA];
	_ =	sdelay $0x3  }
0x34: {  	[smem:$0x3FBA] =	sst s10  }
0x35: {  	s10 =	sld [smem:$0x3FB9];
	_ =	sdelay $0x3  }
0x36: {  	p1 =	seq.s32 s10, $0x1;
	s10 =	sld [smem:$0x3FBA];
	_ =	sdelay $0x3  }
0x37: {  	[smem:$0x3FBA] =	sst s10  }
0x38: {  	s10 =	sld [smem:$0x3FBB]  }
0x39: {  	_ = 	snop;
	(pc) =	sbr.ind lr, $3  }
0x3a: {  	_ = 	snop  }
0x3b: {  	_ = 	snop  }
0x3c: {  	p2 =	seq.s32 s10, $0x1;
	s10 =	sld [smem:$0x3FBA]  }
0x3d: {  	_ =	shalt  }
0x3e: {  	_ =	shalt  }
0x3f: {  	_ =	shalt  }
0x40: {  	_ =	shalt  }
0x41: {  	_ =	shalt  }
0x42: {  	_ =	shalt  }
0x43: {  	_ =	shalt  }
0x44: {  	_ =	shalt  }
0x45: {  	_ =	shalt  }
0x46: {  	_ =	shalt  }
0x47: {  	_ =	shalt  }
0x48: {  	_ =	shalt  }
0x49: {  	_ =	shalt  }
0x4a: {  	_ =	shalt  }
0x4b: {  	_ =	shalt  }
0x4c: {  	_ =	shalt  }
0x4d: {  	_ =	shalt  }
0x4e: {  	_ =	shalt  }
0x4f: {  	_ =	shalt  }
0x50: {  	_ =	shalt  }
0x51: {  	_ =	shalt  }
0x52: {  	_ =	shalt  }
0x53: {  	_ =	shalt  }
0x54: {  	_ =	shalt  }
0x55: {  	_ =	shalt  }
0x56: {  	_ =	shalt  }
0x57: {  	_ =	shalt  }
0x58: {  	_ =	shalt  }
0x59: {  	_ =	shalt  }
0x5a: {  	_ =	shalt  }
0x5b: {  	_ =	shalt  }
0x5c: {  	_ =	shalt  }
0x5d: {  	_ =	shalt  }
0x5e: {  	_ =	shalt  }
0x5f: {  	_ =	shalt  }
0x60: {  	_ =	shalt  }
0x61: {  	_ =	shalt  }
0x62: {  	_ =	shalt  }
0x63: {  	_ =	shalt  }
0x64: {  	_ =	shalt  }
0x65: {  	_ =	shalt  }
0x66: {  	_ =	shalt  }
0x67: {  	_ =	shalt  }
0x68: {  	_ =	shalt  }
0x69: {  	_ =	shalt  }
0x6a: {  	_ =	shalt  }
0x6b: {  	_ =	shalt  }
0x6c: {  	_ =	shalt  }
0x6d: {  	_ =	shalt  }
0x6e: {  	_ =	shalt  }
0x6f: {  	_ =	shalt  }
0x70: {  	_ =	shalt  }
0x71: {  	_ =	shalt  }
0x72: {  	_ =	shalt  }
0x73: {  	_ =	shalt  }
0x74: {  	_ =	shalt  }
0x75: {  	_ =	shalt  }
0x76: {  	_ =	shalt  }
0x77: {  	_ =	shalt  }
0x78: {  	_ =	shalt  }
0x79: {  	_ =	shalt  }
0x7a: {  	_ =	shalt  }
0x7b: {  	_ =	shalt  }
0x7c: {  	_ =	shalt  }
0x7d: {  	_ =	shalt  }
0x7e: {  	_ =	shalt  }
0x7f: {  	_ =	shalt  }
0x80: {  	_ =	shalt  }
0x81: {  	_ =	shalt  }
0x82: {  	_ =	shalt  }
0x83: {  	_ =	shalt  }
0x84: {  	_ =	shalt  }
0x85: {  	_ =	shalt  }
0x86: {  	_ =	shalt  }
0x87: {  	_ =	shalt  }
.Lfunc_end0:
.L_simem_size_0:
called_computation_lowered:
.L_overlay_start_0:
0x88: {  	s2 =	sld [smem:$0x3FD9]  }
0x89: {  	s3 =	sld [smem:$0x3FFE];
	_ =	sdelay $0x1  }
0x8a: {  	s1 =	srdreg.scid  }
0x8b: {  	s0 =	sand.u32 $0x1, s1  }
0x8c: {  	s18 =	sshll.u32 s0, $0xA;
	s2 =	sadd.s32 s3, s2  }
0x8d: {  	s2 =	sadd.s32 s2, s18  }
0x8e: {  	[smem:$0x3FC6] =	sst s2  }
0x8f: {  	_ = 	snop  }
0x90: {  	s2 =	sld [smem:$0x3FC9]  }
0x91: {  	s19 =	sld [smem:$0x3FC8]  }
0x92: {  	s4 =	sld [smem:$0x3FD0];
	(tm) =	ssettm $0x1  }
0x93: {  	s5 =	sld [smem:$0x3FFB];
	_ =	sdelay $0x3  }
0x94: {  	_ =	strace s5  }
0x95: {  	s5 =	sld [smem:$0x3FFC];
	_ =	sdelay $0x3  }
0x96: {  	_ =	strace s5  }
0x97: {  	s5 =	sld [smem:$0x3FFD];
	_ =	sdelay $0x3  }
0x98: {  	_ =	strace s5  }
0x99: {  	_ =	strace $0x8FFFFFFF  }
0x9a: {  	s20 =	sld [smem:$0x3FDB];
	_ =	sdelay $0x1  }
0x9b: {  	s6 =	simm.s32 $_scs_section_size  }
0x9c: {  	s7 =	simm.s32 $_size__tile_overlayer_lowered;
	s8 =	simm.s32 $_tile_overlayer_lowered  }
0x9d: {  	s23 =	simm.s32 $0x1BFF;
	s22 =	sshll.u32 s8, $0x1;
	s5 =	sadd.s32 s6, s20  }
0x9e: {  	s9 =	simm.s32 $0x0;
	s21 =	sshll.u32 s7, $0x1;
	s7 =	sadd.s32 s22, s5  }
0x9f: {  	[timem:s9], [sflag:s23] =	dma.local [hbm:s7], s21  }
0xa0: {  	_ =	swait.ge [sflag:s23], s21  }
0xa1: {  	s6 =	ssub.s32 $0x0, s21;
	[sflag:s23] =	ssyncset.done $0x0  }
0xa2: {  	[sflag:s23] =	ssyncadd.s32 s6;
	_ =	sdelay $0x1  }
0xa3: {  	s24 =	simm.s32 $0x1B8B  }
0xa4: {  	_ =	swait.ge [sflag:s24], $0x1  }
0xa5: {  	[sflag:s24] =	ssyncset.done $0x0  }
0xa6: {  	s25 =	simm.s32 $0x1B8E;
	[sflag:s24] =	ssyncadd.s32 $0xFFFFFFFF  }
0xa7: {  	s26 =	simm.s32 $execute0_lowered;
	[smem:$0x3FD2] =	sst s25  }
0xa8: {  	s6 =	sshll.u32 s26, $0x1;
	_ =	strace $0x80000046;
	[dreg:$0x1] =	wrdreg $0xFFFFFFFF  }
0xa9: {  	s28 =	simm.s32 $_size_execute0_lowered;
	s5 =	sadd.s32 s5, s6;
	[dreg:$0x0] =	wrdreg $0x0  }
0xaa: {  	s6 =	sshll.u32 s28, $0x1;
	[dreg:$0x2] =	wrdreg s5  }
0xab: {  	[dreg:$0x3] =	wrdreg s6  }
0xac: {  	[dreg:$0x4] =	wrdreg $0xC0  }
0xad: {  	_ =	task [dreg:s9], $0x5FFFF  }
0xae: {  	[dreg:$0x1] =	wrdreg $0xFFFFFFFF  }
0xaf: {  	[dreg:$0x0] =	wrdreg $0x60  }
0xb0: {  	[dreg:$0x2] =	wrdreg s2  }
0xb1: {  	[dreg:$0x3] =	wrdreg s19  }
0xb2: {  	[dreg:$0x4] =	wrdreg s4  }
0xb3: {  	[dreg:$0x5] =	wrdreg $0x9  }
0xb4: {  	_ =	task.clear_ibuf [dreg:s9], $0x6FFFF;
	_ =	strace $0x90000046  }
0xb5: {  	s29 =	simm.s32 $0x9;
	_ =	strace $0x80000048  }
0xb6: {  	_ =	swait.ge [sflag:s29], $0x1  }
0xb7: {  	[sflag:s29] =	ssyncadd.s32 $0xFFFFFFFF  }
0xb8: {  	_ =	strace $0x90000048  }
0xb9: {  	_ =	sfence  }
0xba: {  	s30 =	sld [smem:$0x0];
	_ =	sdelay $0x2  }
0xbb: {  	s31 =	sshll.u32 s1, $0xD;
	s1 =	sshrl.u32 s1, $0x2  }
0xbc: {  	s3 =	sand.u32 $0x4000, s31;
	s1 =	sadd.s32 s1, s30  }
0xbd: {  	s0 =	sor.u32 s3, s0;
	s1 =	sshll.u32 s1, $0x11  }
0xbe: {  	s0 =	sor.u32 s1, s0  }
0xbf: {  	s0 =	sadd.s32 $0x8F2B, s0  }
0xc0: {  	[sflag:s0] =	ssyncadd.remote.s32 $0x1  }
0xc1: {  	_ =	sfence.sel $0xFFFF  }
0xc2: {  	[dreg:$0x0] =	wrdreg $0xFFFFFFFF;
	(pc) =	sbr.abs _section_cstart, $3  }
0xc3: {  	[dreg:$0x1] =	wrdreg $0xFFFFFFFF  }
0xc4: {  	_ =	task.clear_ibuf [dreg:s9], $0x2FFFF;
	_ =	strace $0x9FFFFFFF  }
0xc5: {  	(tm) =	ssettm $0x7FFFFFFF  }
tec
execute0_lowered:
.L_overlay_start_1:
0x0: {  	(tag) =	ssettag $0x1  }
0x1: {  	v0 =	vimm.s32 $0x110  }
0x2: {  	v0 =	vunpack.c.0.s8.s32 v0  }
0x3: {  	vm0 =	vcmask $0x700  }
0x4: {  	s0 =	rddreg [dreg:$0x0];
	vm15 =	vcmask $0xB08;
	v0 =	vnsel vm0, $0x72F, v0  }
0x5: {  	s8 =	rddreg [dreg:$0x1];
	vm4 =	vcmask $0xF0C;
	v0 =	vsel vm15, $0x7F2, v0  }
0x6: {  	s2 =	rddreg [dreg:$0x2];
	vm5 =	vcmask $0x1310;
	v0 =	vsel vm4, $0x7E3, v0  }
0x7: {  	s1 =	rddreg [dreg:$0x3];
	vm6 =	vcmask $0x1714;
	v0 =	vsel vm5, $0x7D4, v0  }
0x8: {  	s5 =	srdreg.scid;
	s3 =	stileid.u32;
	vm7 =	vcmask $0x1B18;
	s4 =	simm.s32 $0x0;
	v0 =	vsel vm6, $0x7C5, v0  }
0x9: {  	vm8 =	vcmask $0x1F1C;
	s12 =	simm.s32 $0x8000;
	s13 =	simm.s32 $0x10000;
	s14 =	simm.s32 $0x5;
	v0 =	vsel vm7, $0x7B6, v0  }
0xa: {  	vm9 =	vcmask $0x2320;
	s15 =	simm.s32 $0x1;
	s16 =	simm.s32 $0x12000;
	s17 =	simm.s32 $0x2;
	v0 =	vsel vm8, $0x7A7, v0  }
0xb: {  	vm10 =	vcmask $0x2724;
	s18 =	simm.s32 $0x3;
	s19 =	simm.s32 $0x4;
	s20 =	simm.s32 $0x0;
	v0 =	vsel vm9, $0x798, v0  }
0xc: {  	vm11 =	vcmask $0x2B28;
	s5 =	sand.u32 $0x1, s5;
	s6 =	sshll.u32 s3, $0x1;
	[smem:$0x7FF] =	sst s4;
	v0 =	vsel vm10, $0x789, v0  }
.Ltmp0:
0xd: {  	vm12 =	vcmask $0x2F2C;
	s7 =	ssub.s32 $0x2, s5;
	s6 =	sor.u32 s5, s6;
	v0 =	vsel vm11, $0x77A, v0;
	(pc) =	sbr.rel .LBB2_1-.Ltmp0, $4  }
0xe: {  	vm13 =	vcmask $0x3330;
	_ =	strace $0x80000047;
	s30 =	sshrl.u32 s7, $0x1;
	s9 =	sshll.u32 s6, $0xF;
	v0 =	vsel vm12, $0x76B, v0  }
0xf: {  	vm14 =	vcmask $0x3734;
	s31 =	sshll.u32 s6, $0xA;
	s6 =	sshll.u32 s6, $0x12;
	s11 =	ssub.s32 s7, s30;
	v1 =	vsel vm13, $0x75C, v0  }
0x10: {  	s5 =	sadd.s32 s0, s9;
	s8 =	sadd.s32 s8, s31;
	s9 =	sor.u32 $0x10000, s6;
	vm15 =	vcmask $0x3B38;
	v0 =	vlaneseq.u32;
	v2 =	vsel vm14, $0x74D, v1  }
0x11: {  	s10 =	sor.u32 $0x18000, s6;
	s7 =	sadd.s32 $0x1000, s5;
	s11 =	smax.u32 s11, $0x1;
	v1 =	vmul.u32 $0x80, v0;
	v2 =	vsel vm15, $0x73E, v2  }
.LBB2_18:
0x12: {  	s20 =	sadd.s32 $0x1, s20  }
0x13: {  	_ =	swait.ge [sflag:s18], $0x8000;
	p0 =	sne.s32 s20, s11  }
.Ltmp1:
0x14: {  	[sflag:s18] =	ssyncset.done $0x0;
	(pc) =	sbr.rel @!p0 .LBB2_19-.Ltmp1, $4  }
0x15: {  	[sflag:s18] =	ssyncadd.s32 $0xFFFF8000  }
0x16: {  	_ =	swait.ge [sflag:s19], $0x8000  }
0x17: {  	[sflag:s19] =	ssyncset.done $0x0  }
0x18: {  	[sflag:s19] =	ssyncadd.s32 $0xFFFF8000  }
.LBB2_1:
0x19: {  	v3 =	vadd.s32 s4, v0  }
0x1a: {  	v3 =	vand.u32 $0x7F, v3  }
0x1b: {  	s21 =	simm.s32 $0x12800;
	v3 =	vor.u32 v1, v3  }
0x1c: {  	s22 =	simm.s32 $0x1;
	[tilespmem:s21+$0x0] =	vst v3  }
.LBB2_2:
0x1d: {  	p0 =	sne.s32 s22, $0x7F  }
.Ltmp2:
0x1e: {  	_ = 	snop;
	(pc) =	sbr.rel @p0 .LBB2_2-.Ltmp2, $4  }
0x1f: {  	v3 =	vadd.s32 s22, v0  }
0x20: {  	v3 =	vand.u32 $0x7F, v3  }
0x21: {  	s21 =	sadd.s32 $0x10, s21;
	v3 =	vor.u32 v1, v3  }
0x22: {  	s22 =	sadd.s32 $0x1, s22;
	[tilespmem:s21+$0x0] =	vst v3  }
0x23: {  	s21 =	simm.s32 $0x0  }
0x24: {  	[tilespmem:s21], [sflag:$0x1] =	stream.linear.gather [hbm4b:s5+s21], $0x8000, $0x38;
	[tilespmem:$0x13000] =	vst v63  }
0x25: {  	_ = 	snop  }
0x26: {  	[tilespmem:s12], [sflag:$0x2] =	stream.linear.gather [hbm4b:s7+s21], $0x8000, $0x38;
	[tilespmem:$0x13000] =	vst v63  }
0x27: {  	_ = 	snop  }
0x28: {  	[tilespmem:s13], [sflag:$0x5] =	stream.linear.gather [hbm4b:s8+s21], $0x2000, $0x38;
	[tilespmem:$0x13000] =	vst v63  }
0x29: {  	_ =	swait.ge [sflag:s14], $0x2000  }
0x2a: {  	[sflag:s14] =	ssyncset.done $0x0  }
0x2b: {  	[sflag:s14] =	ssyncadd.s32 $0xFFFFE000  }
.LBB2_4:
0x2c: {  	_ =	swait.ge [sflag:s15], $0x8000;
	s22 =	sshll.u32 s21, $0xB  }
0x2d: {  	[sflag:s15] =	ssyncset.done $0x0;
	s22 =	sand.u32 $0x3FFFF800, s22  }
0x2e: {  	s23 =	simm.s32 $0x0;
	[sflag:s15] =	ssyncadd.s32 $0xFFFF8000;
	s22 =	sadd.s32 $0x10000, s22  }
.LBB2_5:
0x2f: {  	s25 =	simm.s32 $0x12840  }
0x30: {  	v3 =	vld [tilespmem:s25+$0xFFFFFFD0]  }
0x31: {  	v4 =	vld [tilespmem:s25+$0x10]  }
0x32: {  	v7 =	vld [tilespmem:s25+$0xFFFFFFC0]  }
0x33: {  	v8 =	vld [tilespmem:s25+$0xFFFFFFE0]  }
0x34: {  	v5 =	vld [tilespmem:s25+$0x20]  }
0x35: {  	v6 =	vld [tilespmem:s25+$0x0]  }
0x36: {  	s24 =	sshll.u32 s23, $0xB;
	v9 =	vld [tilespmem:s25+$0x30]  }
0x37: {  	s24 =	sand.u32 $0x3FFFF800, s24;
	v10 =	vld [tilespmem:s25+$0xFFFFFFF0]  }
0x38: {  	v3 =	vld.idx.msk [tilespmem:v3+s24+$0x0], $0xffff  }
0x39: {  	v4 =	vld.idx.msk [tilespmem:v4+s24+$0x0], $0xffff  }
0x3a: {  	v7 =	vld.idx.msk [tilespmem:v7+s24+$0x0], $0xffff  }
0x3b: {  	v8 =	vld.idx.msk [tilespmem:v8+s24+$0x0], $0xffff  }
0x3c: {  	v5 =	vld.idx.msk [tilespmem:v5+s24+$0x0], $0xffff  }
0x3d: {  	s26 =	simm.s32 $0x128C0;
	v3 =	vmul.f32 $1.442695020e+00, v3  }
0x3e: {  	v12 =	vld [tilespmem:s26+$0x30]  }
0x3f: {  	v4 =	vmul.f32 $1.442695020e+00, v4;
	(erf) = vpow2.f32 v3;
	v3 =	vld.idx.msk [tilespmem:v6+s24+$0x0], $0xffff  }
0x40: {  	v6 =	vmul.f32 $1.442695020e+00, v7;
	v7 =	vmul.f32 $1.442695020e+00, v8;
	v8 =	vld [tilespmem:s26+$0x10]  }
0x41: {  	v5 =	vmul.f32 $1.442695020e+00, v5;
	(erf) = vpow2.f32 v4;
	v4 =	vld.idx.msk [tilespmem:v9+s24+$0x0], $0xffff  }
0x42: {  	v9 =	vld.idx.msk [tilespmem:v10+s24+$0x0], $0xffff  }
0x43: {  	v10 =	vld [tilespmem:s26+$0x20];
	(erf) = vpow2.f32 v5  }
0x44: {  	v5 =	vld [tilespmem:s26+$0xFFFFFFD0];
	(erf) = vpow2.f32 v6  }
0x45: {  	(erf) = vpow2.f32 v7  }
0x46: {  	v19 =	vld [tilespmem:s26+$0xFFFFFFF0]  }
0x47: {  	v23 =	vld [tilespmem:s26+$0xFFFFFFC0];
	v3 =	vmul.f32 $1.442695020e+00, v3  }
0x48: {  	v6 =	vimm.f32 $0.0e+00;
	v7 =	vld [tilespmem:s26+$0x0];
	v13 =	vmul.f32 $1.442695020e+00, v4;
	v4 =	vmul.f32 $1.442695020e+00, v9;
	v14 =	vpop (erf)  }
0x49: {  	v12 =	vld.idx.msk [tilespmem:v12+s24+$0x0], $0xffff;
	(erf) = vpow2.f32 v3;
	v9 =	vadd.f32 v14, v6;
	v11 =	vmin.f32 v14, v6  }
0x4a: {  	v21 =	vld.idx.msk [tilespmem:v8+s24+$0x0], $0xffff;
	v15 =	vmax.f32 v14, v6;
	v16 =	vpop (erf);
	(erf) = vpow2.f32 v4;
	v18 =	vmin.f32 v11, v6  }
0x4b: {  	v10 =	vld.idx.msk [tilespmem:v10+s24+$0x0], $0xffff;
	v17 =	vmin.f32 v16, v15;
	v3 =	vmax.f32 v11, v6;
	v18 =	vmax.f32 v18, v6  }
0x4c: {  	s25 =	simm.s32 $0x12040;
	v5 =	vld.idx.msk [tilespmem:v5+s24+$0x0], $0xffff;
	v26 =	vpop (erf);
	v4 =	vmin.f32 v17, v3;
	v3 =	vmax.f32 v17, v3;
	v11 =	vadd.f32 v16, v9  }
0x4d: {  	v31 =	vld [tilespmem:s26+$0xFFFFFFE0];
	[tilespmem:s25+$0xFFFFFFD0] =	vst v14;
	v9 =	vmax.f32 v16, v15;
	v24 =	vpop (erf);
	(erf) = vpow2.f32 v13;
	v4 =	vmax.f32 v4, v18  }
0x4e: {  	v14 =	vld.idx.msk [tilespmem:v19+s24+$0x0], $0xffff;
	v18 =	vadd.f32 v24, v6;
	v17 =	vmax.f32 v24, v6;
	v13 =	vmin.f32 v24, v6;
	v15 =	vpop (erf)  }
0x4f: {  	v21 =	vmul.f32 $1.442695020e+00, v21;
	v30 =	vadd.f32 v15, v6;
	v25 =	vmax.f32 v15, v6  }
0x50: {  	[tilespmem:s25+$0x10] =	vst v16;
	v7 =	vld.idx.msk [tilespmem:v7+s24+$0x0], $0xffff;
	v22 =	vmin.f32 v15, v6;
	v8 =	vmin.f32 v13, v6;
	v10 =	vmul.f32 $1.442695020e+00, v10  }
0x51: {  	v16 =	vmax.f32 v13, v6;
	[tilespmem:s25+$0xFFFFFFE0] =	vst v15;
	v15 =	vmul.f32 $1.442695020e+00, v12;
	v5 =	vmul.f32 $1.442695020e+00, v5  }
0x52: {  	v12 =	vimm.f32 $0.0e+00;
	v20 =	vmax.f32 v22, v6;
	v33 =	vmin.f32 v22, v6  }
0x53: {  	[tilespmem:s25+$0xFFFFFFC0] =	vst v24;
	v22 =	vmin.f32 v26, v25;
	v24 =	vmul.f32 $1.442695020e+00, v14;
	(erf) = vpow2.f32 v5  }
0x54: {  	v29 =	vld.idx.msk [tilespmem:v23+s24+$0x0], $0xffff;
	v14 =	vimm.f32 $0.0e+00;
	v13 =	vadd.f32 v26, v30;
	(erf) = vpow2.f32 v21;
	v27 =	vpop (erf)  }
0x55: {  	v31 =	vld.idx.msk [tilespmem:v31+s24+$0x0], $0xffff;
	[tilespmem:s25+$0x20] =	vst v26;
	v19 =	vmul.f32 $1.442695020e+00, v7;
	v5 =	vmax.f32 v26, v25;
	(erf) = vpow2.f32 v10;
	v21 =	vpop (erf)  }
0x56: {  	v26 =	vmax.f32 v33, v6;
	v10 =	vmin.f32 v27, v17;
	[tilespmem:s25+$0x0] =	vst v27;
	v32 =	vmax.f32 v21, v6  }
0x57: {  	v25 =	vmin.f32 v21, v6;
	v7 =	vmax.f32 v10, v16;
	[tilespmem:s25+$0xFFFFFFF0] =	vst v21;
	v10 =	vmin.f32 v10, v16;
	v23 =	vpop (erf)  }
0x58: {  	s28 =	simm.s32 $0x12940;
	s26 =	simm.s32 $0x2;
	v16 =	vimm.f32 $0.0e+00;
	v28 =	vmax.f32 v25, v6;
	v30 =	vmin.f32 v23, v32;
	[tilespmem:s25+$0x30] =	vst v23  }
.LBB2_6:
0x59: {  	v33 =	vld [tilespmem:s28+$0xFFFFFFD0];
	s26 =	sadd.s32 $0x2, s26;
	v29 =	vmul.f32 $1.442695020e+00, v29;
	v34 =	vmax.f32 v23, v32;
	v35 =	vmax.f32 v30, v28;
	s25 =	sadd.s32 $0x80, s25  }
0x5a: {  	v37 =	vmul.f32 $1.442695020e+00, v31;
	v18 =	vadd.f32 v27, v18;
	v27 =	vmax.f32 v27, v17;
	v32 =	vld [tilespmem:s28+$0x10];
	p0 =	slt.u32 s26, $0x1E  }
0x5b: {  	v6 =	vmax.f32 v8, v6;
	v8 =	vmin.f32 v22, v20;
	v17 =	vld [tilespmem:s28+$0x20];
	(erf) = vpow2.f32 v29  }
0x5c: {  	v22 =	vmax.f32 v22, v20;
	v20 =	vmin.f32 v30, v28;
	v29 =	vld [tilespmem:s28+$0x0];
	v36 =	vpop (erf);
	(erf) = vpow2.f32 v37  }
0x5d: {  	v16 =	vmin.f32 v25, v16;
	v28 =	vld [tilespmem:s28+$0x30];
	[tilespmem:s25+$0xFFFFFFD0] =	vst v36;
	v11 =	vadd.f32 v36, v11;
	v30 =	vmax.f32 v36, v9;
	v31 =	vpop (erf)  }
0x5e: {  	v26 =	vmax.f32 v8, v26;
	v9 =	vmin.f32 v36, v9;
	v25 =	vld [tilespmem:s28+$0xFFFFFFC0];
	[tilespmem:s25+$0x10] =	vst v31;
	v36 =	vmin.f32 v31, v30;
	v37 =	vpop (erf)  }
0x5f: {  	v38 =	vmax.f32 v9, v3;
	v3 =	vmin.f32 v9, v3;
	v9 =	vadd.f32 v21, v14;
	v8 =	vld [tilespmem:s28+$0xFFFFFFF0];
	[tilespmem:s25+$0x20] =	vst v37  }
0x60: {  	v4 =	vmax.f32 v3, v4;
	v39 =	vmin.f32 v36, v38;
	v3 =	vmax.f32 v16, v12;
	v16 =	vmovc v35;
	v21 =	vld [tilespmem:s28+$0xFFFFFFE0]  }
0x61: {  	v14 =	vadd.f32 v23, v9;
	v12 =	vmax.f32 v20, v3;
	v33 =	vld.idx.msk [tilespmem:v33+s24+$0x0], $0xffff;
	(erf) = vpow2.f32 v19  }
0x62: {  	v6 =	vmax.f32 v10, v6;
	v3 =	vmax.f32 v36, v38;
	v19 =	vld.idx.msk [tilespmem:v32+s24+$0x0], $0xffff;
	(erf) = vpow2.f32 v24  }
0x63: {  	v11 =	vadd.f32 v31, v11;
	v9 =	vmax.f32 v31, v30;
	v4 =	vmax.f32 v39, v4;
	v10 =	vld.idx.msk [tilespmem:v17+s24+$0x0], $0xffff  }
0x64: {  	v23 =	vld.idx.msk [tilespmem:v29+s24+$0x0], $0xffff;
	v20 =	vpop (erf);
	(erf) = vpow2.f32 v15  }
0x65: {  	v15 =	vld.idx.msk [tilespmem:v28+s24+$0x0], $0xffff;
	v18 =	vadd.f32 v20, v18;
	v17 =	vmax.f32 v20, v27;
	v24 =	vmin.f32 v20, v27;
	v27 =	vpop (erf)  }
0x66: {  	[tilespmem:s25+$0xFFFFFFE0] =	vst v27;
	v13 =	vadd.f32 v27, v13;
	v28 =	vmax.f32 v27, v5;
	v5 =	vmin.f32 v27, v5  }
0x67: {  	v38 =	vmul.f32 $1.442695020e+00, v33;
	v30 =	vld.idx.msk [tilespmem:v8+s24+$0x0], $0xffff;
	[tilespmem:s25+$0xFFFFFFC0] =	vst v20;
	v8 =	vmin.f32 v24, v7;
	v20 =	vmax.f32 v5, v22  }
0x68: {  	v32 =	vmul.f32 $1.442695020e+00, v19;
	v33 =	vmin.f32 v5, v22;
	v22 =	vmin.f32 v37, v28  }
0x69: {  	v36 =	vmax.f32 v24, v7;
	v10 =	vmul.f32 $1.442695020e+00, v10;
	v29 =	vld.idx.msk [tilespmem:v25+s24+$0x0], $0xffff;
	(erf) = vpow2.f32 v38  }
.Ltmp3:
0x6a: {  	v5 =	vmax.f32 v37, v28;
	v19 =	vmul.f32 $1.442695020e+00, v23;
	v31 =	vld.idx.msk [tilespmem:v21+s24+$0x0], $0xffff;
	(erf) = vpow2.f32 v32;
	v27 =	vpop (erf);
	(pc) =	sbr.rel @p0 .LBB2_6-.Ltmp3, $4  }
0x6b: {  	v15 =	vmul.f32 $1.442695020e+00, v15;
	(erf) = vpow2.f32 v10;
	[tilespmem:s25+$0x0] =	vst v27;
	v10 =	vmin.f32 v27, v17;
	v21 =	vpop (erf)  }
0x6c: {  	[tilespmem:s25+$0xFFFFFFF0] =	vst v21;
	v32 =	vmax.f32 v21, v34;
	v25 =	vmin.f32 v21, v34;
	v7 =	vmax.f32 v10, v36  }
0x6d: {  	v13 =	vadd.f32 v37, v13;
	v24 =	vmul.f32 $1.442695020e+00, v30;
	v28 =	vmax.f32 v25, v35;
	v23 =	vpop (erf)  }
0x6e: {  	s28 =	sadd.s32 $0x80, s28;
	v26 =	vmax.f32 v33, v26;
	v10 =	vmin.f32 v10, v36;
	[tilespmem:s25+$0x30] =	vst v23;
	v30 =	vmin.f32 v23, v32  }
0x6f: {  	v29 =	vmul.f32 $1.442695020e+00, v29  }
0x70: {  	v31 =	vmul.f32 $1.442695020e+00, v31  }
0x71: {  	v32 =	vmax.f32 v23, v32;
	(erf) = vpow2.f32 v29  }
0x72: {  	v18 =	vadd.f32 v27, v18;
	v17 =	vmax.f32 v27, v17;
	(erf) = vpow2.f32 v31  }
0x73: {  	v27 =	vmin.f32 v22, v20;
	v20 =	vmax.f32 v22, v20;
	v14 =	vadd.f32 v21, v14  }
0x74: {  	v22 =	vmin.f32 v30, v28;
	v16 =	vmin.f32 v25, v16;
	(erf) = vpow2.f32 v19  }
0x75: {  	v29 =	vmax.f32 v30, v28;
	v14 =	vadd.f32 v23, v14;
	v19 =	vpop (erf);
	(erf) = vpow2.f32 v24  }
0x76: {  	v11 =	vadd.f32 v19, v11;
	v24 =	vmax.f32 v19, v9;
	v28 =	vpop (erf);
	v9 =	vmin.f32 v19, v9  }
0x77: {  	v25 =	vmin.f32 v28, v24;
	(erf) = vpow2.f32 v15;
	v15 =	vmax.f32 v27, v26  }
0x78: {  	v26 =	vmin.f32 v9, v3;
	v3 =	vmax.f32 v9, v3;
	v9 =	vmax.f32 v16, v12  }
0x79: {  	v12 =	vpop (erf);
	v4 =	vmax.f32 v26, v4;
	v16 =	vmin.f32 v25, v3;
	v9 =	vmax.f32 v22, v9  }
0x7a: {  	v22 =	vmax.f32 v25, v3;
	v3 =	vadd.f32 v28, v11;
	v11 =	vmax.f32 v28, v24;
	v21 =	vpop (erf)  }
0x7b: {  	s25 =	sadd.s32 $0x80, s25;
	v16 =	vmax.f32 v16, v4;
	v4 =	vadd.f32 v21, v18;
	v18 =	vmax.f32 v21, v17;
	v23 =	vpop (erf)  }
0x7c: {  	[tilespmem:s25+$0xFFFFFFD0] =	vst v19;
	v13 =	vadd.f32 v23, v13;
	v19 =	vmax.f32 v23, v5;
	v5 =	vmin.f32 v23, v5  }
0x7d: {  	[tilespmem:s25+$0x10] =	vst v28;
	v24 =	vpop (erf);
	v25 =	vmax.f32 v5, v20;
	v5 =	vmin.f32 v5, v20;
	v20 =	vmin.f32 v12, v19  }
0x7e: {  	[tilespmem:s25+$0x20] =	vst v12;
	v26 =	vpop (erf);
	v19 =	vmax.f32 v12, v19;
	v30 =	vmax.f32 v24, v18;
	v34 =	vadd.f32 v24, v4  }
0x7f: {  	[tilespmem:s25+$0xFFFFFFC0] =	vst v21;
	v27 =	vmax.f32 v26, v32;
	v28 =	vmin.f32 v26, v32;
	v12 =	vadd.f32 v12, v13  }
0x80: {  	[tilespmem:s25+$0xFFFFFFE0] =	vst v23;
	v5 =	vmax.f32 v5, v15;
	v31 =	vmax.f32 v11, v30;
	v4 =	vmin.f32 v20, v25  }
0x81: {  	[tilespmem:s25+$0x0] =	vst v24;
	v20 =	vmax.f32 v20, v25;
	v23 =	vmax.f32 v28, v29;
	v33 =	vmax.f32 v22, v31;
	v13 =	vpop (erf)  }
0x82: {  	[tilespmem:s25+$0xFFFFFFF0] =	vst v26;
	v25 =	vmax.f32 v4, v5;
	v35 =	vmax.f32 v16, v33;
	v15 =	vmin.f32 v13, v27  }
0x83: {  	[tilespmem:s25+$0x30] =	vst v13;
	v60 =	vmax.f32 v15, v23;
	v15 =	vmin.f32 v15, v23;
	v23 =	vmax.f32 v19, v35  }
0x84: {  	v5 =	vadd.f32 v26, v14;
	v26 =	vmin.f32 v28, v29;
	v4 =	vld.idx.msk [tilespmem:v2+s16+$0x0], $0xffff;
	v14 =	vmax.f32 v20, v23  }
0x85: {  	v3 =	vadd.f32 v3, v34;
	v27 =	vmax.f32 v13, v27;
	v28 =	vmax.f32 v25, v14  }
0x86: {  	v9 =	vmax.f32 v26, v9;
	v5 =	vadd.f32 v13, v5;
	v13 =	vmax.f32 v27, v28  }
0x87: {  	v12 =	vadd.f32 v12, v3;
	v9 =	vmax.f32 v15, v9;
	v15 =	vmax.f32 v60, v13  }
0x88: {  	v6 =	vmax.f32 v8, v6;
	v8 =	vmin.f32 v21, v17;
	v3 =	vmax.f32 v9, v15  }
0x89: {  	v5 =	vadd.f32 v5, v12;
	v12 =	vmul.f32 $6.000000240e-01, v4;
	v26 =	vmul.f32 $3.000000120e-01, v3  }
0x8a: {  	v6 =	vmax.f32 v10, v6;
	v10 =	vmin.f32 v8, v7;
	v7 =	vmax.f32 v8, v7  }
0x8b: {  	v8 =	vmin.f32 v24, v18;
	v12 =	vadd.f32 v12, v5;
	v17 =	vadd.f32 v26, v5  }
0x8c: {  	v6 =	vmax.f32 v10, v6;
	v21 =	vmax.f32 v8, v7;
	v7 =	vmin.f32 v8, v7  }
0x8d: {  	s31 =	sshll.u32 s23, $0x6;
	v6 =	vmax.f32 v7, v6;
	v7 =	vmin.f32 v11, v30;
	v18 =	vmul.f32 v12, v17  }
0x8e: {  	s26 =	sshll.u32 s23, $0x4;
	v11 =	vmin.f32 v22, v31;
	v10 =	vmax.f32 v7, v21;
	v7 =	vmin.f32 v7, v21;
	s25 =	sand.u32 $0x200, s31  }
0x8f: {  	s26 =	sand.u32 $0x70, s26;
	v6 =	vmax.f32 v7, v6;
	v7 =	vmin.f32 v11, v10;
	s25 =	sadd.s32 s25, s22;
	v8 =	vmul.f32 v18, v5  }
0x90: {  	v6 =	vmax.f32 v7, v6;
	s25 =	sadd.s32 s26, s25  }
0x91: {  	v7 =	vmin.f32 v16, v33;
	v16 =	vld [tilespmem:s25+$0x100];
	(erf) = vrcp.f32 v8;
	v8 =	vmax.f32 v11, v10  }
0x92: {  	v10 =	vld [tilespmem:s25+$0x80];
	v11 =	vmax.f32 v7, v8;
	v7 =	vmin.f32 v7, v8;
	v8 =	vmin.f32 v19, v35  }
0x93: {  	v13 =	vmin.f32 v60, v13;
	v6 =	vmax.f32 v7, v6;
	v7 =	vmin.f32 v8, v11  }
0x94: {  	v8 =	vmax.f32 v8, v11;
	v6 =	vmax.f32 v7, v6;
	v7 =	vmin.f32 v20, v23  }
0x95: {  	v19 =	vld [tilespmem:s25+$0x180];
	v11 =	vmax.f32 v7, v8;
	v7 =	vmin.f32 v7, v8;
	v8 =	vmin.f32 v25, v14  }
0x96: {  	v16 =	vmul.f32 $2.000000030e-01, v16;
	v7 =	vmax.f32 v7, v6;
	v14 =	vmax.f32 v8, v11;
	v6 =	vld [tilespmem:s25+$0x0];
	s25 =	simm.s32 $0x12080  }
0x97: {  	v8 =	vmin.f32 v8, v11;
	v11 =	vmin.f32 v27, v28;
	v10 =	vmul.f32 $2.000000030e-01, v10;
	v27 =	vld [tilespmem:s25+$0x30]  }
0x98: {  	v9 =	vmin.f32 v9, v15;
	v21 =	vmul.f32 $6.999999880e-01, v16;
	v7 =	vmax.f32 v8, v7;
	v23 =	vld [tilespmem:s25+$0x0]  }
0x99: {  	v8 =	vmax.f32 v11, v14;
	v11 =	vmin.f32 v11, v14;
	v43 =	vld [tilespmem:s25+$0xFFFFFF90];
	v20 =	vadd.f32 $8.000000110e-01, v10  }
0x9a: {  	v7 =	vmax.f32 v11, v7;
	v11 =	vmax.f32 v13, v8;
	v8 =	vmin.f32 v13, v8;
	v14 =	vpop (erf)  }
0x9b: {  	v8 =	vmax.f32 v8, v7;
	v22 =	vmul.f32 v14, v5;
	v13 =	vmul.f32 v14, v18  }
0x9c: {  	v14 =	vadd.f32 v21, v20;
	v18 =	vmul.f32 $2.000000030e-01, v19;
	v19 =	vmul.f32 $5.999999870e-02, v19  }
0x9d: {  	v37 =	vld [tilespmem:s25+$0x20];
	vm8 =	veq.f32 v23, v3;
	vm13 =	veq.f32 v27, v3;
	v7 =	vmul.f32 v22, v17  }
0x9e: {  	v36 =	vld [tilespmem:s25+$0xFFFFFFC0];
	vm15 =	veq.f32 v43, v3;
	v17 =	vmul.f32 $7.999999820e-02, v6;
	v12 =	vmul.f32 v22, v12  }
0x9f: {  	v21 =	vld [tilespmem:s25+$0x40];
	v15 =	vmul.f32 v13, v14;
	v14 =	vmax.f32 v9, v11;
	v9 =	vmin.f32 v9, v11  }
0xa0: {  	v11 =	vmul.f32 v13, v10;
	v10 =	vadd.f32 v14, v3;
	v17 =	vmul.f32 v7, v17  }
0xa1: {  	v20 =	vld [tilespmem:s25+$0x10];
	v14 =	vmax.f32 v9, v8;
	v9 =	vmul.f32 v12, v18;
	v12 =	vmul.f32 v12, v19  }
0xa2: {  	vm9 =	vge.f32 v37, v14;
	v18 =	vadd.f32 v14, v10;
	v10 =	vld [tilespmem:s25+$0x60];
	v8 =	vadd.f32 v17, v15  }
0xa3: {  	vm11 =	vge.f32 v36, v14;
	vm14 =	vge.f32 v43, v14;
	v17 =	vld [tilespmem:s25+$0x70];
	v15 =	vmul.f32 $1.000000010e-01, v11  }
0xa4: {  	vm7 =	vge.f32 v21, v14;
	v13 =	vadd.f32 v8, v9;
	v9 =	vmul.f32 $3.000000120e-01, v11  }
0xa5: {  	vm6 =	veq.f32 v21, v3;
	v18 =	vmul.f32 v15, v18;
	v8 =	vmul.f32 $2.343750090e-03, v16  }
0xa6: {  	v35 =	vld [tilespmem:s25+$0xFFFFFFB0];
	vm12 =	vge.f32 v20, v14;
	vm10 =	veq.f32 v20, v3;
	v15 =	vsub.f32 v13, v9  }
0xa7: {  	v42 =	vld [tilespmem:s25+$0xFFFFFF80];
	v9 =	vadd.f32 v18, v8;
	vm0 =	vge.f32 v10, v14;
	vm3 =	veq.f32 v10, v3  }
0xa8: {  	v11 =	vld [tilespmem:s25+$0x50];
	vm2 =	vge.f32 v17, v14;
	vm4 =	veq.f32 v17, v3;
	v12 =	vadd.f32 v15, v12  }
0xa9: {  	v18 =	vsel vm2, v15, v13;
	v16 =	vsel vm2, v9, v8;
	v19 =	vsel vm7, v15, v13  }
0xaa: {  	vm2 =	vge.f32 v27, v14;
	v24 =	vsel vm0, v15, v13;
	v40 =	vsel vm12, v15, v13  }
0xab: {  	v26 =	vld [tilespmem:s25+$0xFFFFFFA0];
	v41 =	vsel vm7, v9, v8;
	v44 =	vsel vm11, v15, v13;
	v29 =	vsel vm9, v9, v8  }
0xac: {  	vm7 =	vge.f32 v35, v14;
	v32 =	vsel vm12, v9, v8;
	vm12 =	veq.f32 v42, v3  }
0xad: {  	v62 =	vsel vm14, v15, v13;
	v48 =	vsel vm14, v9, v8;
	vm1 =	vge.f32 v11, v14  }
0xae: {  	vm5 =	veq.f32 v11, v3;
	v45 =	vsel vm7, v15, v13;
	v61 =	vsel vm6, v12, v19  }
0xaf: {  	v25 =	vld [tilespmem:s25+$0xFFFFFFF0];
	v18 =	vsel vm4, v12, v18;
	v19 =	vsel vm9, v15, v13;
	vm4 =	veq.f32 v37, v3  }
0xb0: {  	vm6 =	vge.f32 v23, v14;
	v24 =	vsel vm3, v12, v24;
	vm3 =	vge.f32 v26, v14  }
0xb1: {  	v31 =	vld [tilespmem:s25+$0xFFFFFFD0];
	v38 =	vsel vm4, v12, v19;
	v19 =	vmul.f32 v18, v17;
	v17 =	vsel vm1, v15, v13  }
0xb2: {  	vm9 =	vge.f32 v42, v14;
	v22 =	vsel vm5, v12, v17;
	v17 =	vsel vm2, v15, v13  }
0xb3: {  	v28 =	vld [tilespmem:s25+$0xFFFFFFE0];
	v40 =	vsel vm10, v12, v40;
	v46 =	vsel vm13, v12, v17;
	vm13 =	veq.f32 v36, v3  }
0xb4: {  	s28 =	simm.s32 $0x12880;
	vm10 =	vge.f32 v25, v14;
	v63 =	vsel vm15, v12, v62;
	v44 =	vsel vm13, v12, v44  }
0xb5: {  	vm4 =	veq.f32 v25, v3;
	v18 =	vsel vm6, v15, v13;
	v36 =	vmul.f32 v44, v36;
	v44 =	vld [tilespmem:s28+$0x40]  }
0xb6: {  	v30 =	vsel vm6, v9, v8;
	vm6 =	vge.f32 v31, v14;
	v34 =	vmul.f32 v46, v27;
	v46 =	vld [tilespmem:s28+$0xFFFFFF90]  }
0xb7: {  	v47 =	vmul.f32 v61, v21;
	v49 =	vsel vm9, v15, v13;
	v21 =	vld [tilespmem:s28+$0x10];
	v33 =	vsel vm8, v12, v18  }
0xb8: {  	vm5 =	veq.f32 v28, v3;
	v39 =	vsel vm6, v15, v13;
	vm8 =	veq.f32 v35, v3;
	v18 =	vld [tilespmem:s28+$0x70]  }
0xb9: {  	v49 =	vsel vm12, v12, v49;
	v37 =	vmul.f32 v38, v37;
	v38 =	vsel vm11, v9, v8;
	v17 =	vld [tilespmem:s28+$0x60]  }
0xba: {  	s29 =	simm.s32 $0x0;
	s26 =	simm.s32 $0x12880;
	v42 =	vmul.f32 v49, v42;
	v49 =	vmul.f32 v63, v43;
	v43 =	vsel vm10, v9, v8;
	v27 =	vld [tilespmem:s28+$0xFFFFFFF0]  }
.LBB2_8:
0xbb: {  	s29 =	sadd.s32 $0x10, s29;
	v50 =	vsel vm9, v9, v8;
	v45 =	vsel vm8, v12, v45;
	v41 =	vadd.f32 v47, v41;
	s25 =	sadd.s32 $0x100, s25;
	s28 =	sadd.s32 $0x100, s28  }
0xbc: {  	vm8 =	veq.f32 v31, v3;
	vm9 =	vge.f32 v28, v14;
	p0 =	slt.u32 s29, $0x70;
	v47 =	vadd.f32 v49, v48  }
0xbd: {  	v35 =	vmul.f32 v45, v35;
	v39 =	vsel vm8, v12, v39;
	v48 =	vld [tilespmem:s26+$0xFFFFFF80];
	[tilespmem:v44+s24+$0x0] =	vst.idx.msk $0xffff, v41  }
0xbe: {  	v45 =	vsel vm10, v15, v13;
	v44 =	vsel vm9, v15, v13;
	[tilespmem:v46+s24+$0x0] =	vst.idx.msk $0xffff, v47;
	v41 =	vld [tilespmem:s26+$0xFFFFFFD0]  }
0xbf: {  	v49 =	vsel vm6, v9, v8;
	v31 =	vmul.f32 v39, v31;
	v47 =	vsel vm7, v9, v8;
	v46 =	vld [tilespmem:s26+$0xFFFFFFA0]  }
0xc0: {  	v23 =	vmul.f32 v33, v23;
	v39 =	vsel vm3, v15, v13;
	v44 =	vsel vm5, v12, v44;
	v51 =	vld [tilespmem:s26+$0x0]  }
0xc1: {  	v33 =	vsel vm4, v12, v45;
	v31 =	vadd.f32 v31, v49;
	v28 =	vmul.f32 v44, v28;
	v44 =	vld [tilespmem:s26+$0x50]  }
0xc2: {  	vm4 =	veq.f32 v26, v3;
	v25 =	vmul.f32 v33, v25;
	v49 =	vsel vm9, v9, v8;
	v45 =	vld [tilespmem:s26+$0xFFFFFFB0]  }
0xc3: {  	v20 =	vmul.f32 v40, v20;
	v33 =	vadd.f32 v42, v50;
	v39 =	vsel vm4, v12, v39;
	v40 =	vld [tilespmem:s26+$0x20]  }
0xc4: {  	v23 =	vadd.f32 v23, v30;
	v42 =	vsel vm3, v9, v8;
	v25 =	vadd.f32 v25, v43;
	v30 =	vld [tilespmem:s26+$0x30]  }
0xc5: {  	v36 =	vadd.f32 v36, v38;
	v26 =	vmul.f32 v39, v26;
	[tilespmem:v48+s24+$0x0] =	vst.idx.msk $0xffff, v33;
	v33 =	vld [tilespmem:s26+$0xFFFFFFC0]  }
0xc6: {  	v20 =	vadd.f32 v20, v32;
	v32 =	vsel vm2, v9, v8;
	[tilespmem:v41+s24+$0x0] =	vst.idx.msk $0xffff, v31;
	v31 =	vld [tilespmem:s26+$0xFFFFFFE0];
	s26 =	smov.u32 s28  }
0xc7: {  	v35 =	vadd.f32 v35, v47;
	v38 =	vld [tilespmem:s28+$0x70];
	[tilespmem:v27+s24+$0x0] =	vst.idx.msk $0xffff, v25;
	v25 =	vadd.f32 v34, v32  }
0xc8: {  	v24 =	vmul.f32 v24, v10;
	v32 =	vld [tilespmem:s25+$0x70];
	[tilespmem:v51+s24+$0x0] =	vst.idx.msk $0xffff, v23;
	v23 =	vadd.f32 v37, v29  }
0xc9: {  	v29 =	vld [tilespmem:s28+$0x60];
	[tilespmem:v21+s24+$0x0] =	vst.idx.msk $0xffff, v20;
	v20 =	vmul.f32 v22, v11;
	v11 =	vsel vm0, v9, v8  }
0xca: {  	v21 =	vsel vm1, v9, v8;
	v10 =	vld [tilespmem:s25+$0x60];
	[tilespmem:v45+s24+$0x0] =	vst.idx.msk $0xffff, v35;
	v22 =	vadd.f32 v24, v11  }
0xcb: {  	v16 =	vadd.f32 v19, v16;
	v11 =	vld [tilespmem:s25+$0x50];
	[tilespmem:v40+s24+$0x0] =	vst.idx.msk $0xffff, v23;
	v23 =	vadd.f32 v20, v21  }
0xcc: {  	v19 =	vadd.f32 v26, v42;
	v20 =	vadd.f32 v28, v49;
	v34 =	vld [tilespmem:s25+$0x40];
	[tilespmem:v30+s24+$0x0] =	vst.idx.msk $0xffff, v25  }
0xcd: {  	v37 =	vld [tilespmem:s25+$0x30];
	vm2 =	vge.f32 v32, v14;
	[tilespmem:v33+s24+$0x0] =	vst.idx.msk $0xffff, v36  }
0xce: {  	vm4 =	veq.f32 v32, v3;
	v43 =	vld [tilespmem:s25+$0x20];
	v24 =	vsel vm2, v15, v13;
	[tilespmem:v18+s24+$0x0] =	vst.idx.msk $0xffff, v16;
	v18 =	vmov v38  }
0xcf: {  	v21 =	vld [tilespmem:s28+$0x10];
	vm0 =	vge.f32 v10, v14;
	vm3 =	veq.f32 v10, v3;
	[tilespmem:v31+s24+$0x0] =	vst.idx.msk $0xffff, v20  }
0xd0: {  	v16 =	vsel vm2, v9, v8;
	v20 =	vld [tilespmem:s25+$0x10];
	vm1 =	vge.f32 v11, v14;
	vm5 =	veq.f32 v11, v3  }
0xd1: {  	v27 =	vld [tilespmem:s28+$0xFFFFFFF0];
	vm7 =	vge.f32 v34, v14;
	vm6 =	veq.f32 v34, v3;
	[tilespmem:v44+s24+$0x0] =	vst.idx.msk $0xffff, v23  }
0xd2: {  	v23 =	vld [tilespmem:s25+$0x0];
	vm2 =	vge.f32 v37, v14;
	v26 =	vsel vm7, v15, v13;
	[tilespmem:v17+s24+$0x0] =	vst.idx.msk $0xffff, v22;
	v17 =	vmov v29  }
0xd3: {  	v22 =	vsel vm4, v12, v24;
	v25 =	vld [tilespmem:s25+$0xFFFFFFF0];
	vm9 =	vge.f32 v43, v14;
	v36 =	vsel vm6, v12, v26  }
0xd4: {  	vm4 =	veq.f32 v43, v3;
	v28 =	vld [tilespmem:s25+$0xFFFFFFE0];
	v24 =	vsel vm9, v15, v13;
	[tilespmem:v46+s24+$0x0] =	vst.idx.msk $0xffff, v19  }
0xd5: {  	v31 =	vld [tilespmem:s25+$0xFFFFFFD0];
	vm12 =	vge.f32 v20, v14;
	v38 =	vsel vm4, v12, v24;
	v24 =	vsel vm0, v15, v13  }
0xd6: {  	v19 =	vmul.f32 v22, v32;
	vm10 =	veq.f32 v20, v3;
	v42 =	vld [tilespmem:s25+$0xFFFFFFC0];
	v40 =	vsel vm12, v15, v13  }
0xd7: {  	v22 =	vsel vm1, v15, v13;
	v35 =	vld [tilespmem:s25+$0xFFFFFFB0];
	vm6 =	vge.f32 v23, v14;
	vm8 =	veq.f32 v23, v3  }
0xd8: {  	v22 =	vsel vm5, v12, v22;
	v26 =	vld [tilespmem:s25+$0xFFFFFFA0];
	vm4 =	veq.f32 v25, v3;
	v29 =	vsel vm6, v15, v13  }
0xd9: {  	v24 =	vsel vm3, v12, v24;
	v30 =	vsel vm6, v9, v8;
	v49 =	vld [tilespmem:s25+$0xFFFFFF90];
	v33 =	vsel vm8, v12, v29  }
0xda: {  	v41 =	vsel vm7, v9, v8;
	vm5 =	veq.f32 v28, v3;
	v50 =	vld [tilespmem:s25+$0xFFFFFF80];
	vm6 =	vge.f32 v31, v14  }
0xdb: {  	vm13 =	veq.f32 v37, v3;
	vm11 =	vge.f32 v42, v14;
	v39 =	vsel vm6, v15, v13  }
0xdc: {  	v29 =	vsel vm9, v9, v8;
	vm8 =	veq.f32 v35, v3;
	v48 =	vsel vm11, v15, v13  }
0xdd: {  	v45 =	vsel vm2, v15, v13;
	vm7 =	vge.f32 v35, v14;
	vm3 =	vge.f32 v26, v14  }
0xde: {  	v32 =	vsel vm12, v9, v8;
	vm14 =	vge.f32 v49, v14;
	vm15 =	veq.f32 v49, v3;
	v44 =	vld [tilespmem:s28+$0x40]  }
0xdf: {  	v51 =	vsel vm13, v12, v45;
	vm9 =	vge.f32 v50, v14;
	vm12 =	veq.f32 v50, v3  }
0xe0: {  	v47 =	vmul.f32 v36, v34;
	vm13 =	veq.f32 v42, v3;
	v45 =	vsel vm7, v15, v13  }
.Ltmp4:
0xe1: {  	v34 =	vmul.f32 v51, v37;
	v52 =	vsel vm13, v12, v48;
	v36 =	vsel vm9, v15, v13;
	v46 =	vld [tilespmem:s28+$0xFFFFFF90];
	(pc) =	sbr.rel @p0 .LBB2_8-.Ltmp4, $4  }
0xe2: {  	v40 =	vsel vm10, v12, v40;
	v37 =	vsel vm14, v15, v13;
	v48 =	vsel vm14, v9, v8  }
0xe3: {  	vm10 =	vge.f32 v25, v14;
	v51 =	vsel vm12, v12, v36;
	v36 =	vmul.f32 v52, v42  }
0xe4: {  	v42 =	vmul.f32 v51, v50;
	v50 =	vsel vm15, v12, v37;
	v37 =	vmul.f32 v38, v43  }
0xe5: {  	v38 =	vsel vm11, v9, v8;
	v43 =	vsel vm10, v9, v8;
	v49 =	vmul.f32 v50, v49  }
0xe6: {  	v50 =	vsel vm9, v9, v8  }
0xe7: {  	v41 =	vadd.f32 v47, v41;
	v45 =	vsel vm8, v12, v45;
	vm13 =	veq.f32 v31, v3  }
0xe8: {  	vm14 =	vge.f32 v28, v14;
	v55 =	vsel vm10, v15, v13;
	v56 =	vsel vm7, v9, v8  }
0xe9: {  	v57 =	vsel vm6, v9, v8;
	v59 =	vsel vm3, v15, v13;
	v23 =	vmul.f32 v33, v23  }
0xea: {  	v47 =	vld [tilespmem:s26+$0xFFFFFF80];
	v20 =	vmul.f32 v40, v20;
	vm15 =	veq.f32 v26, v3;
	v10 =	vmul.f32 v24, v10  }
0xeb: {  	v52 =	vld [tilespmem:s26+$0xFFFFFFD0];
	v11 =	vmul.f32 v22, v11;
	v48 =	vadd.f32 v49, v48;
	v53 =	vsel vm13, v12, v39  }
0xec: {  	v54 =	vsel vm14, v15, v13;
	v60 =	vsel vm4, v12, v55;
	[tilespmem:v44+s24+$0x0] =	vst.idx.msk $0xffff, v41;
	v41 =	vld [tilespmem:s26+$0x0]  }
0xed: {  	v61 =	vld [tilespmem:s26+$0xFFFFFFB0];
	v39 =	vsel vm5, v12, v54;
	v15 =	vmul.f32 v60, v25;
	v20 =	vadd.f32 v20, v32  }
0xee: {  	v63 =	vld [tilespmem:s26+$0x20];
	v54 =	vsel vm15, v12, v59;
	v59 =	vadd.f32 v19, v16;
	[tilespmem:v46+s24+$0x0] =	vst.idx.msk $0xffff, v48  }
0xef: {  	v58 =	vmul.f32 v53, v31;
	v48 =	vld [tilespmem:s26+$0x30];
	v15 =	vadd.f32 v15, v43;
	[tilespmem:v21+s24+$0x0] =	vst.idx.msk $0xffff, v20  }
0xf0: {  	v14 =	vmul.f32 v45, v35;
	v62 =	vadd.f32 v42, v50;
	v50 =	vld [tilespmem:s26+$0xFFFFFFC0];
	[tilespmem:v18+s24+$0x0] =	vst.idx.msk $0xffff, v59  }
0xf1: {  	v51 =	vsel vm14, v9, v8;
	v31 =	vadd.f32 v58, v57;
	[tilespmem:v27+s24+$0x0] =	vst.idx.msk $0xffff, v15  }
0xf2: {  	v3 =	vadd.f32 v23, v30;
	v46 =	vmul.f32 v39, v28;
	v57 =	vld [tilespmem:s26+$0xFFFFFFA0];
	[tilespmem:v47+s24+$0x0] =	vst.idx.msk $0xffff, v62  }
0xf3: {  	v55 =	vadd.f32 v14, v56;
	v56 =	vadd.f32 v37, v29;
	[tilespmem:v52+s24+$0x0] =	vst.idx.msk $0xffff, v31;
	v52 =	vld [tilespmem:s26+$0xFFFFFFE0]  }
0xf4: {  	v53 =	vld [tilespmem:s26+$0x50];
	v12 =	vmul.f32 v54, v26;
	[tilespmem:v41+s24+$0x0] =	vst.idx.msk $0xffff, v3;
	v3 =	vsel vm2, v9, v8  }
0xf5: {  	v58 =	vadd.f32 v36, v38;
	[tilespmem:v61+s24+$0x0] =	vst.idx.msk $0xffff, v55;
	v3 =	vadd.f32 v34, v3  }
0xf6: {  	[tilespmem:v63+s24+$0x0] =	vst.idx.msk $0xffff, v56;
	v61 =	vsel vm0, v9, v8;
	v62 =	vsel vm3, v9, v8  }
0xf7: {  	v63 =	vadd.f32 v10, v61;
	[tilespmem:v48+s24+$0x0] =	vst.idx.msk $0xffff, v3;
	v3 =	vsel vm1, v9, v8  }
0xf8: {  	[tilespmem:v50+s24+$0x0] =	vst.idx.msk $0xffff, v58;
	v8 =	vadd.f32 v12, v62;
	v11 =	vadd.f32 v11, v3;
	v3 =	vor.u32 $0x1, v1  }
0xf9: {  	v60 =	vadd.f32 v46, v51;
	[tilespmem:v17+s24+$0x0] =	vst.idx.msk $0xffff, v63  }
0xfa: {  	[tilespmem:v57+s24+$0x0] =	vst.idx.msk $0xffff, v8  }
0xfb: {  	[tilespmem:v52+s24+$0x0] =	vst.idx.msk $0xffff, v60  }
0xfc: {  	v4 =	vadd.f32 v4, v5;
	[tilespmem:v53+s24+$0x0] =	vst.idx.msk $0xffff, v11  }
0xfd: {  	v5 =	vld.idx.msk [tilespmem:v3+s24+$0x0], $0xffff  }
0xfe: {  	v6 =	vmul.f32 $1.199999970e-01, v6;
	s23 =	sadd.s32 $0x1, s23;
	v4 =	vmul.f32 v7, v4  }
0xff: {  	p0 =	sne.s32 s23, $0x10  }
.Ltmp5:
0x100: {  	v4 =	vmul.f32 v4, v6;
	(pc) =	sbr.rel @p0 .LBB2_5-.Ltmp5, $3  }
0x101: {  	_ = 	snop  }
0x102: {  	v4 =	vadd.f32 v5, v4;
	_ =	sdelay $0x1  }
0x103: {  	[tilespmem:v3+s24+$0x0] =	vst.idx.msk $0xffff, v4  }
0x104: {  	s22 =	sshll.u32 s21, $0x10  }
0x105: {  	s23 =	sor.u32 s6, s22  }
0x106: {  	s23 =	sshrl.u32 s23, $0x3  }
0x107: {  	p0 =	seq.s32 s21, $0x3;
	s23 =	sadd.s32 s2, s23  }
0x108: {  	[hbm4b:s23+s4] =	stream.linear.scatter [tilespmem:s4], [sflag:$0x3], $0x8000, $0x38;
	[tilespmem:$0x13000] =	vst v63  }
0x109: {  	s23 =	simm.s32 @!p0 $0x3  }
0x10a: {  	s24 =	sadd.s32 @!p0 s22, s9;
	_ =	swait.ge @!p0 [sflag:s23], $0x8000  }
0x10b: {  	s24 =	sshrl.u32 @!p0 s24, $0x3;
	[sflag:s23] =	ssyncset.done @!p0 $0x0  }
0x10c: {  	[sflag:s23] =	ssyncadd.s32 @!p0 $0xFFFF8000;
	s23 =	sadd.s32 @!p0 s0, s24;
	s24 =	simm.s32 @!p0 $0x0  }
0x10d: {  	[tilespmem:s24], [sflag:$0x1] =	stream.linear.gather @!p0 [hbm4b:s23+s24], $0x8000, $0x38;
	[tilespmem:$0x13000] =	vst v63  }
0x10e: {  	_ =	swait.ge [sflag:s17], $0x8000  }
0x10f: {  	s31 =	sshll.u32 s21, $0x9;
	[sflag:s17] =	ssyncset.done $0x0  }
0x110: {  	s23 =	sor.u32 $0x100, s31;
	s24 =	simm.s32 $0x0;
	[sflag:s17] =	ssyncadd.s32 $0xFFFF8000  }
.LBB2_11:
0x111: {  	s26 =	simm.s32 $0x12840  }
0x112: {  	v4 =	vld [tilespmem:s26+$0xFFFFFFD0]  }
0x113: {  	v5 =	vld [tilespmem:s26+$0x10]  }
0x114: {  	v8 =	vld [tilespmem:s26+$0xFFFFFFC0]  }
0x115: {  	v9 =	vld [tilespmem:s26+$0xFFFFFFE0]  }
0x116: {  	v6 =	vld [tilespmem:s26+$0x20]  }
0x117: {  	s25 =	sshll.u32 s24, $0xB;
	v7 =	vld [tilespmem:s26+$0x0]  }
0x118: {  	s25 =	sand.u32 $0x3FFFF800, s25;
	v10 =	vld [tilespmem:s26+$0x30]  }
0x119: {  	v11 =	vld [tilespmem:s26+$0xFFFFFFF0];
	s25 =	sadd.s32 $0x8000, s25  }
0x11a: {  	v4 =	vld.idx.msk [tilespmem:v4+s25+$0x0], $0xffff  }
0x11b: {  	v5 =	vld.idx.msk [tilespmem:v5+s25+$0x0], $0xffff  }
0x11c: {  	v8 =	vld.idx.msk [tilespmem:v8+s25+$0x0], $0xffff  }
0x11d: {  	v9 =	vld.idx.msk [tilespmem:v9+s25+$0x0], $0xffff  }
0x11e: {  	v6 =	vld.idx.msk [tilespmem:v6+s25+$0x0], $0xffff  }
0x11f: {  	s28 =	simm.s32 $0x128C0;
	v4 =	vmul.f32 $1.442695020e+00, v4  }
0x120: {  	v13 =	vld [tilespmem:s28+$0x30]  }
0x121: {  	v5 =	vmul.f32 $1.442695020e+00, v5;
	(erf) = vpow2.f32 v4;
	v4 =	vld.idx.msk [tilespmem:v7+s25+$0x0], $0xffff  }
0x122: {  	v7 =	vmul.f32 $1.442695020e+00, v8;
	v8 =	vmul.f32 $1.442695020e+00, v9;
	v9 =	vld [tilespmem:s28+$0x10]  }
0x123: {  	v6 =	vmul.f32 $1.442695020e+00, v6;
	(erf) = vpow2.f32 v5;
	v5 =	vld.idx.msk [tilespmem:v10+s25+$0x0], $0xffff  }
0x124: {  	v10 =	vld.idx.msk [tilespmem:v11+s25+$0x0], $0xffff  }
0x125: {  	v11 =	vld [tilespmem:s28+$0x20];
	(erf) = vpow2.f32 v6  }
0x126: {  	v6 =	vld [tilespmem:s28+$0xFFFFFFD0];
	(erf) = vpow2.f32 v7  }
0x127: {  	(erf) = vpow2.f32 v8  }
0x128: {  	v20 =	vld [tilespmem:s28+$0xFFFFFFF0]  }
0x129: {  	v24 =	vld [tilespmem:s28+$0xFFFFFFC0];
	v4 =	vmul.f32 $1.442695020e+00, v4  }
0x12a: {  	v7 =	vimm.f32 $0.0e+00;
	v8 =	vld [tilespmem:s28+$0x0];
	v14 =	vmul.f32 $1.442695020e+00, v5;
	v5 =	vmul.f32 $1.442695020e+00, v10;
	v15 =	vpop (erf)  }
0x12b: {  	v13 =	vld.idx.msk [tilespmem:v13+s25+$0x0], $0xffff;
	(erf) = vpow2.f32 v4;
	v10 =	vadd.f32 v15, v7;
	v12 =	vmin.f32 v15, v7  }
0x12c: {  	v22 =	vld.idx.msk [tilespmem:v9+s25+$0x0], $0xffff;
	v16 =	vmax.f32 v15, v7;
	v17 =	vpop (erf);
	(erf) = vpow2.f32 v5;
	v19 =	vmin.f32 v12, v7  }
0x12d: {  	v11 =	vld.idx.msk [tilespmem:v11+s25+$0x0], $0xffff;
	v18 =	vmin.f32 v17, v16;
	v4 =	vmax.f32 v12, v7;
	v19 =	vmax.f32 v19, v7  }
0x12e: {  	s26 =	simm.s32 $0x12040;
	v6 =	vld.idx.msk [tilespmem:v6+s25+$0x0], $0xffff;
	v27 =	vpop (erf);
	v5 =	vmin.f32 v18, v4;
	v4 =	vmax.f32 v18, v4;
	v12 =	vadd.f32 v17, v10  }
0x12f: {  	v32 =	vld [tilespmem:s28+$0xFFFFFFE0];
	[tilespmem:s26+$0xFFFFFFD0] =	vst v15;
	v10 =	vmax.f32 v17, v16;
	v25 =	vpop (erf);
	(erf) = vpow2.f32 v14;
	v5 =	vmax.f32 v5, v19  }
0x130: {  	v15 =	vld.idx.msk [tilespmem:v20+s25+$0x0], $0xffff;
	v19 =	vadd.f32 v25, v7;
	v18 =	vmax.f32 v25, v7;
	v14 =	vmin.f32 v25, v7;
	v16 =	vpop (erf)  }
0x131: {  	v22 =	vmul.f32 $1.442695020e+00, v22;
	v31 =	vadd.f32 v16, v7;
	v26 =	vmax.f32 v16, v7  }
0x132: {  	[tilespmem:s26+$0x10] =	vst v17;
	v8 =	vld.idx.msk [tilespmem:v8+s25+$0x0], $0xffff;
	v23 =	vmin.f32 v16, v7;
	v9 =	vmin.f32 v14, v7;
	v11 =	vmul.f32 $1.442695020e+00, v11  }
0x133: {  	v17 =	vmax.f32 v14, v7;
	[tilespmem:s26+$0xFFFFFFE0] =	vst v16;
	v16 =	vmul.f32 $1.442695020e+00, v13;
	v6 =	vmul.f32 $1.442695020e+00, v6  }
0x134: {  	v13 =	vimm.f32 $0.0e+00;
	v21 =	vmax.f32 v23, v7;
	v34 =	vmin.f32 v23, v7  }
0x135: {  	[tilespmem:s26+$0xFFFFFFC0] =	vst v25;
	v23 =	vmin.f32 v27, v26;
	v25 =	vmul.f32 $1.442695020e+00, v15;
	(erf) = vpow2.f32 v6  }
0x136: {  	v30 =	vld.idx.msk [tilespmem:v24+s25+$0x0], $0xffff;
	v15 =	vimm.f32 $0.0e+00;
	v14 =	vadd.f32 v27, v31;
	(erf) = vpow2.f32 v22;
	v28 =	vpop (erf)  }
0x137: {  	v32 =	vld.idx.msk [tilespmem:v32+s25+$0x0], $0xffff;
	[tilespmem:s26+$0x20] =	vst v27;
	v20 =	vmul.f32 $1.442695020e+00, v8;
	v6 =	vmax.f32 v27, v26;
	(erf) = vpow2.f32 v11;
	v22 =	vpop (erf)  }
0x138: {  	v27 =	vmax.f32 v34, v7;
	v11 =	vmin.f32 v28, v18;
	[tilespmem:s26+$0x0] =	vst v28;
	v33 =	vmax.f32 v22, v7  }
0x139: {  	v26 =	vmin.f32 v22, v7;
	v8 =	vmax.f32 v11, v17;
	[tilespmem:s26+$0xFFFFFFF0] =	vst v22;
	v11 =	vmin.f32 v11, v17;
	v24 =	vpop (erf)  }
0x13a: {  	s29 =	simm.s32 $0x12940;
	s28 =	simm.s32 $0x2;
	v17 =	vimm.f32 $0.0e+00;
	v29 =	vmax.f32 v26, v7;
	v31 =	vmin.f32 v24, v33;
	[tilespmem:s26+$0x30] =	vst v24  }
.LBB2_12:
0x13b: {  	v34 =	vld [tilespmem:s29+$0xFFFFFFD0];
	s28 =	sadd.s32 $0x2, s28;
	v30 =	vmul.f32 $1.442695020e+00, v30;
	v35 =	vmax.f32 v24, v33;
	v36 =	vmax.f32 v31, v29;
	s26 =	sadd.s32 $0x80, s26  }
0x13c: {  	v38 =	vmul.f32 $1.442695020e+00, v32;
	v19 =	vadd.f32 v28, v19;
	v28 =	vmax.f32 v28, v18;
	v33 =	vld [tilespmem:s29+$0x10];
	p1 =	slt.u32 s28, $0x1E  }
0x13d: {  	v7 =	vmax.f32 v9, v7;
	v9 =	vmin.f32 v23, v21;
	v18 =	vld [tilespmem:s29+$0x20];
	(erf) = vpow2.f32 v30  }
0x13e: {  	v23 =	vmax.f32 v23, v21;
	v21 =	vmin.f32 v31, v29;
	v30 =	vld [tilespmem:s29+$0x0];
	v37 =	vpop (erf);
	(erf) = vpow2.f32 v38  }
0x13f: {  	v17 =	vmin.f32 v26, v17;
	v29 =	vld [tilespmem:s29+$0x30];
	[tilespmem:s26+$0xFFFFFFD0] =	vst v37;
	v12 =	vadd.f32 v37, v12;
	v31 =	vmax.f32 v37, v10;
	v32 =	vpop (erf)  }
0x140: {  	v27 =	vmax.f32 v9, v27;
	v10 =	vmin.f32 v37, v10;
	v26 =	vld [tilespmem:s29+$0xFFFFFFC0];
	[tilespmem:s26+$0x10] =	vst v32;
	v37 =	vmin.f32 v32, v31;
	v38 =	vpop (erf)  }
0x141: {  	v39 =	vmax.f32 v10, v4;
	v4 =	vmin.f32 v10, v4;
	v10 =	vadd.f32 v22, v15;
	v9 =	vld [tilespmem:s29+$0xFFFFFFF0];
	[tilespmem:s26+$0x20] =	vst v38  }
0x142: {  	v5 =	vmax.f32 v4, v5;
	v40 =	vmin.f32 v37, v39;
	v4 =	vmax.f32 v17, v13;
	v17 =	vmovc v36;
	v22 =	vld [tilespmem:s29+$0xFFFFFFE0]  }
0x143: {  	v15 =	vadd.f32 v24, v10;
	v13 =	vmax.f32 v21, v4;
	v34 =	vld.idx.msk [tilespmem:v34+s25+$0x0], $0xffff;
	(erf) = vpow2.f32 v20  }
0x144: {  	v7 =	vmax.f32 v11, v7;
	v4 =	vmax.f32 v37, v39;
	v20 =	vld.idx.msk [tilespmem:v33+s25+$0x0], $0xffff;
	(erf) = vpow2.f32 v25  }
0x145: {  	v12 =	vadd.f32 v32, v12;
	v10 =	vmax.f32 v32, v31;
	v5 =	vmax.f32 v40, v5;
	v11 =	vld.idx.msk [tilespmem:v18+s25+$0x0], $0xffff  }
0x146: {  	v24 =	vld.idx.msk [tilespmem:v30+s25+$0x0], $0xffff;
	v21 =	vpop (erf);
	(erf) = vpow2.f32 v16  }
0x147: {  	v16 =	vld.idx.msk [tilespmem:v29+s25+$0x0], $0xffff;
	v19 =	vadd.f32 v21, v19;
	v18 =	vmax.f32 v21, v28;
	v25 =	vmin.f32 v21, v28;
	v28 =	vpop (erf)  }
0x148: {  	[tilespmem:s26+$0xFFFFFFE0] =	vst v28;
	v14 =	vadd.f32 v28, v14;
	v29 =	vmax.f32 v28, v6;
	v6 =	vmin.f32 v28, v6  }
0x149: {  	v39 =	vmul.f32 $1.442695020e+00, v34;
	v31 =	vld.idx.msk [tilespmem:v9+s25+$0x0], $0xffff;
	[tilespmem:s26+$0xFFFFFFC0] =	vst v21;
	v9 =	vmin.f32 v25, v8;
	v21 =	vmax.f32 v6, v23  }
0x14a: {  	v33 =	vmul.f32 $1.442695020e+00, v20;
	v34 =	vmin.f32 v6, v23;
	v23 =	vmin.f32 v38, v29  }
0x14b: {  	v37 =	vmax.f32 v25, v8;
	v11 =	vmul.f32 $1.442695020e+00, v11;
	v30 =	vld.idx.msk [tilespmem:v26+s25+$0x0], $0xffff;
	(erf) = vpow2.f32 v39  }
.Ltmp6:
0x14c: {  	v6 =	vmax.f32 v38, v29;
	v20 =	vmul.f32 $1.442695020e+00, v24;
	v32 =	vld.idx.msk [tilespmem:v22+s25+$0x0], $0xffff;
	(erf) = vpow2.f32 v33;
	v28 =	vpop (erf);
	(pc) =	sbr.rel @p1 .LBB2_12-.Ltmp6, $4  }
0x14d: {  	v16 =	vmul.f32 $1.442695020e+00, v16;
	(erf) = vpow2.f32 v11;
	[tilespmem:s26+$0x0] =	vst v28;
	v11 =	vmin.f32 v28, v18;
	v22 =	vpop (erf)  }
0x14e: {  	[tilespmem:s26+$0xFFFFFFF0] =	vst v22;
	v33 =	vmax.f32 v22, v35;
	v26 =	vmin.f32 v22, v35;
	v8 =	vmax.f32 v11, v37  }
0x14f: {  	v14 =	vadd.f32 v38, v14;
	v25 =	vmul.f32 $1.442695020e+00, v31;
	v29 =	vmax.f32 v26, v36;
	v24 =	vpop (erf)  }
0x150: {  	s29 =	sadd.s32 $0x80, s29;
	v27 =	vmax.f32 v34, v27;
	v11 =	vmin.f32 v11, v37;
	[tilespmem:s26+$0x30] =	vst v24;
	v31 =	vmin.f32 v24, v33  }
0x151: {  	v30 =	vmul.f32 $1.442695020e+00, v30  }
0x152: {  	v32 =	vmul.f32 $1.442695020e+00, v32  }
0x153: {  	v33 =	vmax.f32 v24, v33;
	(erf) = vpow2.f32 v30  }
0x154: {  	v19 =	vadd.f32 v28, v19;
	v18 =	vmax.f32 v28, v18;
	(erf) = vpow2.f32 v32  }
0x155: {  	v28 =	vmin.f32 v23, v21;
	v21 =	vmax.f32 v23, v21;
	v15 =	vadd.f32 v22, v15  }
0x156: {  	v23 =	vmin.f32 v31, v29;
	v17 =	vmin.f32 v26, v17;
	(erf) = vpow2.f32 v20  }
0x157: {  	v30 =	vmax.f32 v31, v29;
	v15 =	vadd.f32 v24, v15;
	v20 =	vpop (erf);
	(erf) = vpow2.f32 v25  }
0x158: {  	v12 =	vadd.f32 v20, v12;
	v25 =	vmax.f32 v20, v10;
	v10 =	vmin.f32 v20, v10  }
0x159: {  	v29 =	vpop (erf);
	(erf) = vpow2.f32 v16;
	v16 =	vmax.f32 v28, v27;
	v27 =	vmin.f32 v10, v4  }
0x15a: {  	v26 =	vmin.f32 v29, v25;
	v4 =	vmax.f32 v10, v4;
	v5 =	vmax.f32 v27, v5  }
0x15b: {  	v10 =	vmax.f32 v17, v13;
	v13 =	vpop (erf);
	v24 =	vmax.f32 v29, v25;
	v17 =	vmin.f32 v26, v4  }
0x15c: {  	v10 =	vmax.f32 v23, v10;
	v23 =	vmax.f32 v26, v4;
	v12 =	vadd.f32 v29, v12;
	v22 =	vpop (erf)  }
0x15d: {  	s26 =	sadd.s32 $0x80, s26;
	v17 =	vmax.f32 v17, v5;
	v4 =	vadd.f32 v22, v19;
	v19 =	vmax.f32 v22, v18;
	v5 =	vpop (erf)  }
0x15e: {  	[tilespmem:s26+$0xFFFFFFD0] =	vst v20;
	v14 =	vadd.f32 v5, v14;
	v20 =	vmax.f32 v5, v6;
	v6 =	vmin.f32 v5, v6  }
0x15f: {  	[tilespmem:s26+$0x10] =	vst v29;
	v25 =	vpop (erf);
	v26 =	vmax.f32 v6, v21;
	v6 =	vmin.f32 v6, v21;
	v21 =	vmin.f32 v13, v20  }
0x160: {  	[tilespmem:s26+$0x20] =	vst v13;
	v27 =	vpop (erf);
	v20 =	vmax.f32 v13, v20;
	v31 =	vmax.f32 v25, v19;
	v35 =	vadd.f32 v25, v4  }
0x161: {  	[tilespmem:s26+$0xFFFFFFC0] =	vst v22;
	v28 =	vmax.f32 v27, v33;
	v29 =	vmin.f32 v27, v33;
	v13 =	vadd.f32 v13, v14  }
0x162: {  	[tilespmem:s26+$0xFFFFFFE0] =	vst v5;
	v6 =	vmax.f32 v6, v16;
	v59 =	vmax.f32 v24, v31;
	v4 =	vmin.f32 v21, v26  }
0x163: {  	[tilespmem:s26+$0x0] =	vst v25;
	v21 =	vmax.f32 v21, v26;
	v5 =	vmax.f32 v29, v30;
	v34 =	vmax.f32 v23, v59;
	v14 =	vpop (erf)  }
0x164: {  	[tilespmem:s26+$0xFFFFFFF0] =	vst v27;
	v26 =	vmax.f32 v4, v6;
	v36 =	vmax.f32 v17, v34;
	v16 =	vmin.f32 v14, v28  }
0x165: {  	[tilespmem:s26+$0x30] =	vst v14;
	v60 =	vmax.f32 v16, v5;
	v5 =	vmin.f32 v16, v5;
	v16 =	vmax.f32 v20, v36  }
0x166: {  	v6 =	vadd.f32 v27, v15;
	v27 =	vmin.f32 v29, v30;
	v4 =	vld.idx.msk [tilespmem:v2+s16+$0x0], $0xffff;
	v15 =	vmax.f32 v21, v16  }
0x167: {  	v12 =	vadd.f32 v12, v35;
	v28 =	vmax.f32 v14, v28;
	v29 =	vmax.f32 v26, v15  }
0x168: {  	v10 =	vmax.f32 v27, v10;
	v14 =	vadd.f32 v14, v6;
	v27 =	vmax.f32 v28, v29  }
0x169: {  	v10 =	vmax.f32 v5, v10;
	v5 =	vadd.f32 v13, v12;
	v12 =	vmax.f32 v60, v27  }
0x16a: {  	v7 =	vmax.f32 v9, v7;
	v9 =	vmin.f32 v22, v18;
	v6 =	vmax.f32 v10, v12  }
0x16b: {  	v5 =	vadd.f32 v14, v5;
	v13 =	vmul.f32 $6.000000240e-01, v4;
	v14 =	vmul.f32 $3.000000120e-01, v6  }
0x16c: {  	v7 =	vmax.f32 v11, v7;
	v11 =	vmin.f32 v9, v8;
	v8 =	vmax.f32 v9, v8  }
0x16d: {  	v9 =	vmin.f32 v25, v19;
	v13 =	vadd.f32 v13, v5;
	v14 =	vadd.f32 v14, v5  }
0x16e: {  	v7 =	vmax.f32 v11, v7;
	v19 =	vmax.f32 v9, v8;
	v8 =	vmin.f32 v9, v8  }
0x16f: {  	s31 =	sshll.u32 s24, $0x4;
	v7 =	vmax.f32 v8, v7;
	v8 =	vmin.f32 v24, v31;
	v18 =	vmul.f32 v13, v14  }
0x170: {  	s28 =	sadd.s32 s23, s31;
	v11 =	vmax.f32 v8, v19;
	v8 =	vmin.f32 v8, v19;
	v19 =	vmin.f32 v23, v59  }
0x171: {  	s28 =	sshll.u32 s28, $0x2;
	v7 =	vmax.f32 v8, v7;
	v8 =	vmin.f32 v19, v11;
	v9 =	vmul.f32 v18, v5  }
0x172: {  	s28 =	sand.u32 $0x1E00, s28;
	s26 =	sand.u32 $0x70, s31;
	v7 =	vmax.f32 v8, v7  }
0x173: {  	s26 =	sor.u32 s26, s28;
	v8 =	vmin.f32 v17, v34;
	(erf) = vrcp.f32 v9;
	v9 =	vmax.f32 v19, v11  }
0x174: {  	v19 =	vld [tilespmem:s26+$0x10100];
	v17 =	vmax.f32 v8, v9;
	v8 =	vmin.f32 v8, v9;
	v9 =	vmin.f32 v20, v36  }
0x175: {  	v11 =	vld [tilespmem:s26+$0x10080];
	v7 =	vmax.f32 v8, v7;
	v8 =	vmin.f32 v9, v17  }
0x176: {  	v9 =	vmax.f32 v9, v17;
	v7 =	vmax.f32 v8, v7;
	v8 =	vmin.f32 v21, v16  }
0x177: {  	v16 =	vmax.f32 v8, v9;
	v8 =	vmin.f32 v8, v9  }
0x178: {  	v9 =	vmin.f32 v26, v15;
	v8 =	vmax.f32 v8, v7;
	v7 =	vld [tilespmem:s26+$0x10000]  }
0x179: {  	v10 =	vmin.f32 v10, v12;
	v15 =	vmax.f32 v9, v16;
	v17 =	vmul.f32 $2.000000030e-01, v19;
	v19 =	vld [tilespmem:s26+$0x10180];
	s26 =	simm.s32 $0x12080  }
0x17a: {  	v9 =	vmin.f32 v9, v16;
	v16 =	vmin.f32 v28, v29;
	v11 =	vmul.f32 $2.000000030e-01, v11;
	v28 =	vld [tilespmem:s26+$0x30]  }
0x17b: {  	v8 =	vmax.f32 v9, v8;
	v9 =	vmax.f32 v16, v15;
	v15 =	vmin.f32 v16, v15;
	v24 =	vld [tilespmem:s26+$0x0]  }
0x17c: {  	v16 =	vmin.f32 v60, v27;
	v44 =	vld [tilespmem:s26+$0xFFFFFF90];
	v21 =	vadd.f32 $8.000000110e-01, v11;
	v22 =	vmul.f32 $6.999999880e-01, v17  }
0x17d: {  	v8 =	vmax.f32 v15, v8;
	v15 =	vmax.f32 v16, v9;
	v9 =	vmin.f32 v16, v9;
	v20 =	vpop (erf)  }
0x17e: {  	v9 =	vmax.f32 v9, v8;
	v23 =	vmul.f32 v20, v5;
	v16 =	vmul.f32 v20, v18  }
0x17f: {  	v18 =	vadd.f32 v22, v21;
	v20 =	vmul.f32 $2.000000030e-01, v19;
	v19 =	vmul.f32 $5.999999870e-02, v19  }
0x180: {  	v38 =	vld [tilespmem:s26+$0x20];
	vm8 =	veq.f32 v24, v6;
	vm13 =	veq.f32 v28, v6;
	v8 =	vmul.f32 v23, v14  }
0x181: {  	v37 =	vld [tilespmem:s26+$0xFFFFFFC0];
	vm15 =	veq.f32 v44, v6;
	v14 =	vmul.f32 $7.999999820e-02, v7;
	v13 =	vmul.f32 v23, v13  }
0x182: {  	v22 =	vld [tilespmem:s26+$0x40];
	v12 =	vmul.f32 v16, v18;
	v18 =	vmax.f32 v10, v15;
	v16 =	vmul.f32 v16, v11  }
0x183: {  	v10 =	vmin.f32 v10, v15;
	v11 =	vadd.f32 v18, v6;
	v14 =	vmul.f32 v8, v14  }
0x184: {  	v15 =	vmax.f32 v10, v9;
	v18 =	vld [tilespmem:s26+$0x70];
	v10 =	vmul.f32 v13, v20;
	v20 =	vmul.f32 $1.000000010e-01, v16  }
0x185: {  	v13 =	vmul.f32 v13, v19;
	v21 =	vadd.f32 v15, v11;
	v11 =	vld [tilespmem:s26+$0x60];
	v9 =	vadd.f32 v14, v12  }
0x186: {  	vm9 =	vge.f32 v38, v15;
	vm11 =	vge.f32 v37, v15;
	vm14 =	vge.f32 v44, v15;
	v12 =	vld [tilespmem:s26+$0x50]  }
0x187: {  	vm7 =	vge.f32 v22, v15;
	v14 =	vadd.f32 v9, v10;
	v10 =	vmul.f32 $3.000000120e-01, v16  }
0x188: {  	vm6 =	veq.f32 v22, v6;
	v20 =	vmul.f32 v20, v21;
	v21 =	vld [tilespmem:s26+$0x10];
	v9 =	vmul.f32 $2.343750090e-03, v17  }
0x189: {  	vm2 =	vge.f32 v18, v15;
	vm4 =	veq.f32 v18, v6;
	v16 =	vsub.f32 v14, v10  }
0x18a: {  	v36 =	vld [tilespmem:s26+$0xFFFFFFB0];
	v10 =	vadd.f32 v20, v9;
	vm0 =	vge.f32 v11, v15;
	vm3 =	veq.f32 v11, v6  }
0x18b: {  	vm1 =	vge.f32 v12, v15;
	vm5 =	veq.f32 v12, v6;
	v13 =	vadd.f32 v16, v13  }
0x18c: {  	v43 =	vld [tilespmem:s26+$0xFFFFFF80];
	v19 =	vsel vm2, v16, v14;
	v17 =	vsel vm2, v10, v9;
	v20 =	vsel vm7, v16, v14  }
0x18d: {  	vm2 =	vge.f32 v28, v15;
	vm12 =	vge.f32 v21, v15;
	v25 =	vsel vm0, v16, v14  }
0x18e: {  	v27 =	vld [tilespmem:s26+$0xFFFFFFA0];
	vm10 =	veq.f32 v21, v6;
	v42 =	vsel vm7, v10, v9;
	v45 =	vsel vm11, v16, v14  }
0x18f: {  	v30 =	vsel vm9, v10, v9;
	vm7 =	vge.f32 v36, v15;
	v62 =	vsel vm14, v16, v14  }
0x190: {  	v49 =	vsel vm14, v10, v9;
	v41 =	vsel vm12, v16, v14;
	v33 =	vsel vm12, v10, v9  }
0x191: {  	vm12 =	veq.f32 v43, v6;
	v46 =	vsel vm7, v16, v14;
	v61 =	vsel vm6, v13, v20  }
0x192: {  	v26 =	vld [tilespmem:s26+$0xFFFFFFF0];
	v19 =	vsel vm4, v13, v19;
	v20 =	vsel vm9, v16, v14;
	vm4 =	veq.f32 v38, v6  }
0x193: {  	vm6 =	vge.f32 v24, v15;
	v25 =	vsel vm3, v13, v25;
	vm3 =	vge.f32 v27, v15  }
0x194: {  	v32 =	vld [tilespmem:s26+$0xFFFFFFD0];
	v39 =	vsel vm4, v13, v20;
	v20 =	vmul.f32 v19, v18;
	v18 =	vsel vm1, v16, v14  }
0x195: {  	vm9 =	vge.f32 v43, v15;
	v23 =	vsel vm5, v13, v18;
	v18 =	vsel vm2, v16, v14  }
0x196: {  	v29 =	vld [tilespmem:s26+$0xFFFFFFE0];
	v41 =	vsel vm10, v13, v41;
	v47 =	vsel vm13, v13, v18;
	vm13 =	veq.f32 v37, v6  }
0x197: {  	s29 =	simm.s32 $0x12880;
	vm10 =	vge.f32 v26, v15;
	v63 =	vsel vm15, v13, v62;
	v45 =	vsel vm13, v13, v45  }
0x198: {  	vm4 =	veq.f32 v26, v6;
	v19 =	vsel vm6, v16, v14;
	v37 =	vmul.f32 v45, v37;
	v45 =	vld [tilespmem:s29+$0x40]  }
0x199: {  	v31 =	vsel vm6, v10, v9;
	vm6 =	vge.f32 v32, v15;
	v35 =	vmul.f32 v47, v28;
	v47 =	vld [tilespmem:s29+$0xFFFFFF90]  }
0x19a: {  	v48 =	vmul.f32 v61, v22;
	v50 =	vsel vm9, v16, v14;
	v22 =	vld [tilespmem:s29+$0x10];
	v34 =	vsel vm8, v13, v19  }
0x19b: {  	vm5 =	veq.f32 v29, v6;
	v40 =	vsel vm6, v16, v14;
	vm8 =	veq.f32 v36, v6;
	v19 =	vld [tilespmem:s29+$0x70]  }
0x19c: {  	v50 =	vsel vm12, v13, v50;
	v38 =	vmul.f32 v39, v38;
	v39 =	vsel vm11, v10, v9;
	v18 =	vld [tilespmem:s29+$0x60]  }
0x19d: {  	s30 =	simm.s32 $0x0;
	s28 =	simm.s32 $0x12880;
	v43 =	vmul.f32 v50, v43;
	v50 =	vmul.f32 v63, v44;
	v44 =	vsel vm10, v10, v9;
	v28 =	vld [tilespmem:s29+$0xFFFFFFF0]  }
.LBB2_14:
0x19e: {  	s30 =	sadd.s32 $0x10, s30;
	v51 =	vsel vm9, v10, v9;
	v46 =	vsel vm8, v13, v46;
	v42 =	vadd.f32 v48, v42;
	s26 =	sadd.s32 $0x100, s26;
	s29 =	sadd.s32 $0x100, s29  }
0x19f: {  	vm8 =	veq.f32 v32, v6;
	vm9 =	vge.f32 v29, v15;
	p1 =	slt.u32 s30, $0x70;
	v48 =	vadd.f32 v50, v49  }
0x1a0: {  	v36 =	vmul.f32 v46, v36;
	v40 =	vsel vm8, v13, v40;
	v49 =	vld [tilespmem:s28+$0xFFFFFF80];
	[tilespmem:v45+s25+$0x0] =	vst.idx.msk $0xffff, v42  }
0x1a1: {  	v46 =	vsel vm10, v16, v14;
	v45 =	vsel vm9, v16, v14;
	[tilespmem:v47+s25+$0x0] =	vst.idx.msk $0xffff, v48;
	v42 =	vld [tilespmem:s28+$0xFFFFFFD0]  }
0x1a2: {  	v50 =	vsel vm6, v10, v9;
	v32 =	vmul.f32 v40, v32;
	v48 =	vsel vm7, v10, v9;
	v47 =	vld [tilespmem:s28+$0xFFFFFFA0]  }
0x1a3: {  	v24 =	vmul.f32 v34, v24;
	v40 =	vsel vm3, v16, v14;
	v45 =	vsel vm5, v13, v45;
	v52 =	vld [tilespmem:s28+$0x0]  }
0x1a4: {  	v34 =	vsel vm4, v13, v46;
	v32 =	vadd.f32 v32, v50;
	v29 =	vmul.f32 v45, v29;
	v45 =	vld [tilespmem:s28+$0x50]  }
0x1a5: {  	vm4 =	veq.f32 v27, v6;
	v26 =	vmul.f32 v34, v26;
	v50 =	vsel vm9, v10, v9;
	v46 =	vld [tilespmem:s28+$0xFFFFFFB0]  }
0x1a6: {  	v21 =	vmul.f32 v41, v21;
	v34 =	vadd.f32 v43, v51;
	v40 =	vsel vm4, v13, v40;
	v41 =	vld [tilespmem:s28+$0x20]  }
0x1a7: {  	v24 =	vadd.f32 v24, v31;
	v43 =	vsel vm3, v10, v9;
	v26 =	vadd.f32 v26, v44;
	v31 =	vld [tilespmem:s28+$0x30]  }
0x1a8: {  	v37 =	vadd.f32 v37, v39;
	v27 =	vmul.f32 v40, v27;
	[tilespmem:v49+s25+$0x0] =	vst.idx.msk $0xffff, v34;
	v34 =	vld [tilespmem:s28+$0xFFFFFFC0]  }
0x1a9: {  	v21 =	vadd.f32 v21, v33;
	v33 =	vsel vm2, v10, v9;
	[tilespmem:v42+s25+$0x0] =	vst.idx.msk $0xffff, v32;
	v32 =	vld [tilespmem:s28+$0xFFFFFFE0];
	s28 =	smov.u32 s29  }
0x1aa: {  	v36 =	vadd.f32 v36, v48;
	v39 =	vld [tilespmem:s29+$0x70];
	[tilespmem:v28+s25+$0x0] =	vst.idx.msk $0xffff, v26;
	v26 =	vadd.f32 v35, v33  }
0x1ab: {  	v25 =	vmul.f32 v25, v11;
	v33 =	vld [tilespmem:s26+$0x70];
	[tilespmem:v52+s25+$0x0] =	vst.idx.msk $0xffff, v24;
	v24 =	vadd.f32 v38, v30  }
0x1ac: {  	v30 =	vld [tilespmem:s29+$0x60];
	[tilespmem:v22+s25+$0x0] =	vst.idx.msk $0xffff, v21;
	v21 =	vmul.f32 v23, v12;
	v12 =	vsel vm0, v10, v9  }
0x1ad: {  	v22 =	vsel vm1, v10, v9;
	v11 =	vld [tilespmem:s26+$0x60];
	[tilespmem:v46+s25+$0x0] =	vst.idx.msk $0xffff, v36;
	v23 =	vadd.f32 v25, v12  }
0x1ae: {  	v17 =	vadd.f32 v20, v17;
	v12 =	vld [tilespmem:s26+$0x50];
	[tilespmem:v41+s25+$0x0] =	vst.idx.msk $0xffff, v24;
	v24 =	vadd.f32 v21, v22  }
0x1af: {  	v20 =	vadd.f32 v27, v43;
	v21 =	vadd.f32 v29, v50;
	v35 =	vld [tilespmem:s26+$0x40];
	[tilespmem:v31+s25+$0x0] =	vst.idx.msk $0xffff, v26  }
0x1b0: {  	v38 =	vld [tilespmem:s26+$0x30];
	vm2 =	vge.f32 v33, v15;
	[tilespmem:v34+s25+$0x0] =	vst.idx.msk $0xffff, v37  }
0x1b1: {  	vm4 =	veq.f32 v33, v6;
	v44 =	vld [tilespmem:s26+$0x20];
	v25 =	vsel vm2, v16, v14;
	[tilespmem:v19+s25+$0x0] =	vst.idx.msk $0xffff, v17;
	v19 =	vmov v39  }
0x1b2: {  	v22 =	vld [tilespmem:s29+$0x10];
	vm0 =	vge.f32 v11, v15;
	vm3 =	veq.f32 v11, v6;
	[tilespmem:v32+s25+$0x0] =	vst.idx.msk $0xffff, v21  }
0x1b3: {  	v17 =	vsel vm2, v10, v9;
	v21 =	vld [tilespmem:s26+$0x10];
	vm1 =	vge.f32 v12, v15;
	vm5 =	veq.f32 v12, v6  }
0x1b4: {  	v28 =	vld [tilespmem:s29+$0xFFFFFFF0];
	vm7 =	vge.f32 v35, v15;
	vm6 =	veq.f32 v35, v6;
	[tilespmem:v45+s25+$0x0] =	vst.idx.msk $0xffff, v24  }
0x1b5: {  	v24 =	vld [tilespmem:s26+$0x0];
	vm2 =	vge.f32 v38, v15;
	v27 =	vsel vm7, v16, v14;
	[tilespmem:v18+s25+$0x0] =	vst.idx.msk $0xffff, v23;
	v18 =	vmov v30  }
0x1b6: {  	v23 =	vsel vm4, v13, v25;
	v26 =	vld [tilespmem:s26+$0xFFFFFFF0];
	vm9 =	vge.f32 v44, v15;
	v37 =	vsel vm6, v13, v27  }
0x1b7: {  	vm4 =	veq.f32 v44, v6;
	v29 =	vld [tilespmem:s26+$0xFFFFFFE0];
	v25 =	vsel vm9, v16, v14;
	[tilespmem:v47+s25+$0x0] =	vst.idx.msk $0xffff, v20  }
0x1b8: {  	v32 =	vld [tilespmem:s26+$0xFFFFFFD0];
	vm12 =	vge.f32 v21, v15;
	v39 =	vsel vm4, v13, v25;
	v25 =	vsel vm0, v16, v14  }
0x1b9: {  	v20 =	vmul.f32 v23, v33;
	vm10 =	veq.f32 v21, v6;
	v43 =	vld [tilespmem:s26+$0xFFFFFFC0];
	v41 =	vsel vm12, v16, v14  }
0x1ba: {  	v23 =	vsel vm1, v16, v14;
	v36 =	vld [tilespmem:s26+$0xFFFFFFB0];
	vm6 =	vge.f32 v24, v15;
	vm8 =	veq.f32 v24, v6  }
0x1bb: {  	v23 =	vsel vm5, v13, v23;
	v27 =	vld [tilespmem:s26+$0xFFFFFFA0];
	vm4 =	veq.f32 v26, v6;
	v30 =	vsel vm6, v16, v14  }
0x1bc: {  	v25 =	vsel vm3, v13, v25;
	v31 =	vsel vm6, v10, v9;
	v50 =	vld [tilespmem:s26+$0xFFFFFF90];
	v34 =	vsel vm8, v13, v30  }
0x1bd: {  	v42 =	vsel vm7, v10, v9;
	vm5 =	veq.f32 v29, v6;
	v51 =	vld [tilespmem:s26+$0xFFFFFF80];
	vm6 =	vge.f32 v32, v15  }
0x1be: {  	vm13 =	veq.f32 v38, v6;
	vm11 =	vge.f32 v43, v15;
	v40 =	vsel vm6, v16, v14  }
0x1bf: {  	v30 =	vsel vm9, v10, v9;
	vm8 =	veq.f32 v36, v6;
	v49 =	vsel vm11, v16, v14  }
0x1c0: {  	v46 =	vsel vm2, v16, v14;
	vm7 =	vge.f32 v36, v15;
	vm3 =	vge.f32 v27, v15  }
0x1c1: {  	v33 =	vsel vm12, v10, v9;
	vm14 =	vge.f32 v50, v15;
	vm15 =	veq.f32 v50, v6;
	v45 =	vld [tilespmem:s29+$0x40]  }
0x1c2: {  	v52 =	vsel vm13, v13, v46;
	vm9 =	vge.f32 v51, v15;
	vm12 =	veq.f32 v51, v6  }
0x1c3: {  	v48 =	vmul.f32 v37, v35;
	vm13 =	veq.f32 v43, v6;
	v46 =	vsel vm7, v16, v14  }
.Ltmp7:
0x1c4: {  	v35 =	vmul.f32 v52, v38;
	v53 =	vsel vm13, v13, v49;
	v37 =	vsel vm9, v16, v14;
	v47 =	vld [tilespmem:s29+$0xFFFFFF90];
	(pc) =	sbr.rel @p1 .LBB2_14-.Ltmp7, $4  }
0x1c5: {  	v41 =	vsel vm10, v13, v41;
	v38 =	vsel vm14, v16, v14;
	v49 =	vsel vm14, v10, v9  }
0x1c6: {  	vm10 =	vge.f32 v26, v15;
	v52 =	vsel vm12, v13, v37;
	v37 =	vmul.f32 v53, v43  }
0x1c7: {  	v43 =	vmul.f32 v52, v51;
	v51 =	vsel vm15, v13, v38;
	v38 =	vmul.f32 v39, v44  }
0x1c8: {  	v39 =	vsel vm11, v10, v9;
	v44 =	vsel vm10, v10, v9;
	v50 =	vmul.f32 v51, v50  }
0x1c9: {  	v51 =	vsel vm9, v10, v9;
	v42 =	vadd.f32 v48, v42  }
0x1ca: {  	v46 =	vsel vm8, v13, v46;
	vm13 =	veq.f32 v32, v6;
	vm14 =	vge.f32 v29, v15  }
0x1cb: {  	v54 =	vsel vm10, v16, v14;
	v55 =	vsel vm7, v10, v9;
	v56 =	vsel vm6, v10, v9  }
0x1cc: {  	v48 =	vld [tilespmem:s28+$0xFFFFFF80];
	v58 =	vsel vm3, v16, v14;
	v24 =	vmul.f32 v34, v24;
	v21 =	vmul.f32 v41, v21  }
0x1cd: {  	v53 =	vld [tilespmem:s28+$0x0];
	vm15 =	veq.f32 v27, v6;
	v49 =	vadd.f32 v50, v49;
	v59 =	vsel vm4, v13, v54  }
0x1ce: {  	v50 =	vld [tilespmem:s28+$0xFFFFFFD0];
	v63 =	vsel vm13, v13, v40;
	v52 =	vsel vm14, v16, v14;
	v16 =	vmul.f32 v59, v26  }
0x1cf: {  	v60 =	vld [tilespmem:s28+$0xFFFFFFB0];
	[tilespmem:v45+s25+$0x0] =	vst.idx.msk $0xffff, v42;
	v57 =	vmul.f32 v63, v32;
	v21 =	vadd.f32 v21, v33  }
0x1d0: {  	v62 =	vld [tilespmem:s28+$0x20];
	v40 =	vsel vm5, v13, v52;
	[tilespmem:v47+s25+$0x0] =	vst.idx.msk $0xffff, v49;
	v16 =	vadd.f32 v16, v44  }
0x1d1: {  	v45 =	vld [tilespmem:s28+$0xFFFFFFC0];
	v32 =	vadd.f32 v57, v56;
	[tilespmem:v22+s25+$0x0] =	vst.idx.msk $0xffff, v21;
	v57 =	vadd.f32 v20, v17  }
0x1d2: {  	v61 =	vadd.f32 v43, v51;
	v63 =	vmul.f32 v40, v29;
	v40 =	vld [tilespmem:s28+$0x30];
	[tilespmem:v28+s25+$0x0] =	vst.idx.msk $0xffff, v16  }
0x1d3: {  	v15 =	vmul.f32 v46, v36;
	v47 =	vadd.f32 v24, v31;
	v49 =	vld [tilespmem:s28+$0xFFFFFFE0];
	[tilespmem:v19+s25+$0x0] =	vst.idx.msk $0xffff, v57  }
0x1d4: {  	v11 =	vmul.f32 v25, v11;
	v12 =	vmul.f32 v23, v12;
	[tilespmem:v48+s25+$0x0] =	vst.idx.msk $0xffff, v61  }
0x1d5: {  	v51 =	vsel vm15, v13, v58;
	v52 =	vadd.f32 v15, v55;
	v55 =	vld [tilespmem:s28+$0xFFFFFFA0];
	[tilespmem:v53+s25+$0x0] =	vst.idx.msk $0xffff, v47  }
0x1d6: {  	v54 =	vadd.f32 v38, v30;
	v13 =	vmul.f32 v51, v27;
	[tilespmem:v50+s25+$0x0] =	vst.idx.msk $0xffff, v32;
	v50 =	vld [tilespmem:s28+$0x50]  }
0x1d7: {  	v56 =	vadd.f32 v37, v39;
	v53 =	vsel vm2, v10, v9;
	[tilespmem:v60+s25+$0x0] =	vst.idx.msk $0xffff, v52  }
0x1d8: {  	v48 =	vsel vm14, v10, v9;
	[tilespmem:v62+s25+$0x0] =	vst.idx.msk $0xffff, v54;
	v6 =	vadd.f32 v35, v53  }
0x1d9: {  	v60 =	vsel vm0, v10, v9;
	v59 =	vadd.f32 v63, v48;
	[tilespmem:v45+s25+$0x0] =	vst.idx.msk $0xffff, v56  }
0x1da: {  	v61 =	vsel vm3, v10, v9;
	v62 =	vadd.f32 v11, v60;
	[tilespmem:v40+s25+$0x0] =	vst.idx.msk $0xffff, v6  }
0x1db: {  	v58 =	vsel vm1, v10, v9;
	v9 =	vadd.f32 v13, v61;
	[tilespmem:v49+s25+$0x0] =	vst.idx.msk $0xffff, v59  }
0x1dc: {  	v6 =	vadd.f32 v12, v58;
	[tilespmem:v18+s25+$0x0] =	vst.idx.msk $0xffff, v62  }
0x1dd: {  	[tilespmem:v55+s25+$0x0] =	vst.idx.msk $0xffff, v9  }
0x1de: {  	v4 =	vadd.f32 v4, v5;
	[tilespmem:v50+s25+$0x0] =	vst.idx.msk $0xffff, v6  }
0x1df: {  	v5 =	vld.idx.msk [tilespmem:v3+s25+$0x0], $0xffff  }
0x1e0: {  	s24 =	sadd.s32 $0x1, s24;
	v4 =	vmul.f32 v8, v4;
	v63 =	vmul.f32 $1.199999970e-01, v7  }
0x1e1: {  	p1 =	sne.s32 s24, $0x10  }
.Ltmp8:
0x1e2: {  	v4 =	vmul.f32 v4, v63;
	(pc) =	sbr.rel @p1 .LBB2_11-.Ltmp8, $3  }
0x1e3: {  	_ = 	snop  }
0x1e4: {  	v4 =	vadd.f32 v5, v4;
	_ =	sdelay $0x1  }
0x1e5: {  	[tilespmem:v3+s25+$0x0] =	vst.idx.msk $0xffff, v4  }
.Ltmp9:
0x1e6: {  	s23 =	sshll.u32 s23, $0x7;
	(pc) =	sbr.rel @p0 .LBB2_18-.Ltmp9, $4  }
0x1e7: {  	s23 =	sadd.s32 s6, s23  }
0x1e8: {  	s23 =	sshrl.u32 s23, $0x3  }
0x1e9: {  	s23 =	sadd.s32 s2, s23  }
0x1ea: {  	[hbm4b:s23+s4] =	stream.linear.scatter [tilespmem:s12], [sflag:$0x4], $0x8000, $0x38;
	[tilespmem:$0x13000] =	vst v63  }
.Ltmp10:
0x1eb: {  	(pc) =	sbr.rel .LBB2_4-.Ltmp10, $4  }
0x1ec: {  	_ =	swait.ge [sflag:s19], $0x8000;
	s22 =	sadd.s32 s22, s10  }
0x1ed: {  	[sflag:s19] =	ssyncset.done $0x0;
	s22 =	sshrl.u32 s22, $0x3  }
0x1ee: {  	s21 =	sadd.s32 $0x1, s21;
	[sflag:s19] =	ssyncadd.s32 $0xFFFF8000;
	s22 =	sadd.s32 s0, s22  }
0x1ef: {  	[tilespmem:s12], [sflag:$0x2] =	stream.linear.gather [hbm4b:s22+s4], $0x8000, $0x38;
	[tilespmem:$0x13000] =	vst v63  }
.LBB2_19:
0x1f0: {  	_ =	sfence.sel $0x180000  }
0x1f1: {  	[bflag:$0x0] =	sbarrier.arrive $0xFFFF  }
0x1f2: {  	p0 =	sne.s32 s3, $0x0;
	_ =	strace $0x90000047  }
0x1f3: {  	s0 =	sadd.s32 @!p0 $0x100000, s1;
	[bflag:$0x2] =	sbarrier.arrive $0xFFFF  }
0x1f4: {  	[sflag:s0] =	ssyncadd.tile.s32 @!p0 $0x1;
	_ =	shalt  }
.Lfunc_end2:
_tile_overlayer_lowered:
.L_overlay_start_2:
0x1f5: {  	(tag) =	ssettag $0x2  }
0x1f6: {  	s0 =	rddreg [dreg:$0x0];
	s2 =	stileid.u32  }
0x1f7: {  	s1 =	rddreg [dreg:$0x1];
	p0 =	sne.s32 s2, $0x0  }
0x1f8: {  	s3 =	rddreg [dreg:$0x2];
	[bflag:$0x3] =	sbarrier.arrive $0xFFFF;
	s2 =	simm.s32 @!p0 $0x1C05  }
0x1f9: {  	[timem:s3], [sflag:s2] =	dma.local @!p0 [hbm:s0], s1  }
0x1fa: {  	s0 =	simm.s32 @!p0 $0x5  }
0x1fb: {  	_ =	swait.ge @!p0 [sflag:s0], s1  }
0x1fc: {  	s1 =	ssub.s32 @!p0 $0x0, s1;
	[sflag:s0] =	ssyncset.done @!p0 $0x0  }
0x1fd: {  	[sflag:s0] =	ssyncadd.s32 @!p0 s1  }
0x1fe: {  	[bflag:$0x3] =	sbarrier.arrive $0xFFFF  }
0x1ff: {  	_ =	shalt  }

</sc_bundles>
